<compile_context>
chip_gen: v7x
topology: tpu7x:2x2x1
jax: 0.10.2.dev20260603
libtpu: 0.0.44.dev20260713+nightly
codegen_flags: <defaults>
</compile_context>

<pallas_src>
import functools

import jax
import jax.numpy as jnp
import numpy as np
from jax import lax
from jax.experimental import pallas as pl
from jax.experimental.pallas import tpu as pltpu
from jax.experimental.pallas import tpu_sc as plsc

OUTF = 4096
INF = 4096
NFREQ = 100000
SCALE = 150.0

_PAD = 100352
_NK = _PAD
_HALF = 8388608
_FLAT = 16777216 + 2097152
_DUMMY0 = 16777216
_ROWS = 26
_ZCH = 65536
_ZN = (_HALF // 16) // _ZCH


def _make_bases(n):
    j = np.arange(n, dtype=np.int64)
    prod = (np.outer(j, j) % n).astype(np.int32)
    ang = 2.0 * np.pi * np.arange(n, dtype=np.float64) / n
    c = np.cos(ang)[prod]
    s = np.sin(ang)[prod]
    return c.astype(jnp.bfloat16), s.astype(jnp.bfloat16)


_C_BF16, _SN_BF16 = _make_bases(4096)


def _spectrum_body(mu_ref, rho_ref, eps_ref, o_ref):
    o_ref[:] = mu_ref[:] + jnp.log1p(jnp.exp(rho_ref[:])) * eps_ref[:]


def _stage1_body(c_ref, sn_ref, s_ref, u_ref, v_ref, acc_u, acc_v):
    @pl.when(pl.program_id(2) == 0)
    def _init():
        acc_u[:] = jnp.zeros_like(acc_u)
        acc_v[:] = jnp.zeros_like(acc_v)

    s_bf = s_ref[:]
    acc_u[:] += jnp.dot(c_ref[:], s_bf, preferred_element_type=jnp.float32)
    acc_v[:] += jnp.dot(sn_ref[:], s_bf, preferred_element_type=jnp.float32)

    @pl.when(pl.program_id(2) == pl.num_programs(2) - 1)
    def _flush():
        u_ref[:] = acc_u[:].astype(u_ref.dtype)
        v_ref[:] = acc_v[:].astype(v_ref.dtype)


def _stage2_body(scale, u_ref, v_ref, c_ref, sn_ref, o_ref, acc):
    @pl.when(pl.program_id(2) == 0)
    def _init():
        acc[:] = jnp.zeros_like(acc)

    acc[:] += jnp.dot(u_ref[:], c_ref[:], preferred_element_type=jnp.float32)
    acc[:] -= jnp.dot(v_ref[:], sn_ref[:], preferred_element_type=jnp.float32)

    @pl.when(pl.program_id(2) == pl.num_programs(2) - 1)
    def _flush():
        m = acc.shape[0]
        n = acc.shape[1]
        iu = lax.broadcasted_iota(jnp.int32, (m, n), 0)
        iv = lax.broadcasted_iota(jnp.int32, (m, n), 1)
        sgn = jnp.where(((iu + iv) & 1) == 0, scale, -scale)
        o_ref[:] = acc[:] * sgn


def _transform(dense_f32, c_bf, sn_bf, n, bm, bn, bk, out_scale):
    gi, gj, gk = n // bm, n // bn, n // bk
    u, v = pl.pallas_call(
        _stage1_body,
        grid=(gi, gj, gk),
        in_specs=[
            pl.BlockSpec((bm, bk), lambda i, j, k: (i, k)),
            pl.BlockSpec((bm, bk), lambda i, j, k: (i, k)),
            pl.BlockSpec((bk, bn), lambda i, j, k: (k, j)),
        ],
        out_specs=[
            pl.BlockSpec((bm, bn), lambda i, j, k: (i, j)),
            pl.BlockSpec((bm, bn), lambda i, j, k: (i, j)),
        ],
        out_shape=[
            jax.ShapeDtypeStruct((n, n), jnp.bfloat16),
            jax.ShapeDtypeStruct((n, n), jnp.bfloat16),
        ],
        scratch_shapes=[
            pltpu.VMEM((bm, bn), jnp.float32),
            pltpu.VMEM((bm, bn), jnp.float32),
        ],
        compiler_params=pltpu.CompilerParams(
            dimension_semantics=("parallel", "parallel", "arbitrary"),
        ),
    )(c_bf, sn_bf, dense_f32)
    out = pl.pallas_call(
        functools.partial(_stage2_body, out_scale),
        grid=(gi, gj, gk),
        in_specs=[
            pl.BlockSpec((bm, bk), lambda i, j, k: (i, k)),
            pl.BlockSpec((bm, bk), lambda i, j, k: (i, k)),
            pl.BlockSpec((bk, bn), lambda i, j, k: (k, j)),
            pl.BlockSpec((bk, bn), lambda i, j, k: (k, j)),
        ],
        out_specs=pl.BlockSpec((bm, bn), lambda i, j, k: (i, j)),
        out_shape=jax.ShapeDtypeStruct((n, n), jnp.float32),
        scratch_shapes=[pltpu.VMEM((bm, bn), jnp.float32)],
        compiler_params=pltpu.CompilerParams(
            dimension_semantics=("parallel", "parallel", "arbitrary"),
        ),
    )(u, v, c_bf, sn_bf)
    return out


def _sc_scatter_body(idx_hbm, val_hbm, out_hbm, zer_v, idx_v, val_v, sem, zsem):
    c = lax.axis_index("c")
    s = lax.axis_index("s")

    def _zfill(i, carry):
        zer_v[pl.ds(i * 16, 16)] = jnp.zeros((16,), jnp.float32)
        return carry

    lax.fori_loop(0, _ZCH // 16, _zfill, 0)

    zbase = c * _HALF + s * (_HALF // 16)
    pend = []
    for i in range(_ZN):
        pend.append(
            pltpu.async_copy(
                zer_v, out_hbm.at[pl.ds(zbase + i * _ZCH, _ZCH)], zsem
            )
        )
    for cp in pend:
        cp.wait()

    plsc.subcore_barrier()

    pltpu.sync_copy(idx_hbm.at[c, s], idx_v)
    pltpu.sync_copy(val_hbm.at[c, s], val_v)

    pend = []
    for r in range(_ROWS):
        pend.append(
            pltpu.async_copy(val_v.at[r], out_hbm.at[idx_v.at[r]], sem)
        )
    for cp in pend:
        cp.wait()


def _sc_scatter(idx_all, vals2d):
    mesh = plsc.VectorSubcoreMesh(core_axis_name="c", subcore_axis_name="s")
    f = pl.kernel(
        _sc_scatter_body,
        out_type=jax.ShapeDtypeStruct((_FLAT,), jnp.float32),
        mesh=mesh,
        scratch_types=[
            pltpu.VMEM((_ZCH,), jnp.float32),
            pltpu.VMEM((_ROWS, 128), jnp.int32),
            pltpu.VMEM((_ROWS, 128), jnp.float32),
            pltpu.SemaphoreType.DMA,
            pltpu.SemaphoreType.DMA,
        ],
    )
    return f(idx_all, vals2d)


def kernel(spectrum_mu, spectrum_rho, eps, indices):
    pad = _PAD - NFREQ
    mu2 = jnp.pad(spectrum_mu, (0, pad)).reshape(_PAD // 128, 128)
    rho2 = jnp.pad(spectrum_rho, (0, pad)).reshape(_PAD // 128, 128)
    eps2 = jnp.pad(eps, (0, pad)).reshape(_PAD // 128, 128)
    spec = pl.pallas_call(
        _spectrum_body,
        out_shape=jax.ShapeDtypeStruct((_PAD // 128, 128), jnp.float32),
    )(mu2, rho2, eps2)
    spec = spec.reshape(_PAD)[:NFREQ]

    lin = indices[0, :] * 4096 + indices[1, :]
    ks, vs = lax.sort((lin, spec), num_keys=1, is_stable=False)

    kp = jnp.concatenate(
        [ks, jnp.full((_NK - NFREQ + 4,), 0x7FFFFFFF, jnp.int32)]
    )
    vp = jnp.concatenate([vs, jnp.zeros((_NK - NFREQ + 4,), jnp.float32)])
    k0 = kp[:_NK]
    e0 = k0 == kp[1 : _NK + 1]
    e1 = kp[1 : _NK + 1] == kp[2 : _NK + 2]
    e2 = kp[2 : _NK + 2] == kp[3 : _NK + 3]
    w = vp[:_NK]
    w = jnp.where(e0, vp[1 : _NK + 1], w)
    w = jnp.where(e0 & e1, vp[2 : _NK + 2], w)
    w = jnp.where(e0 & e1 & e2, vp[3 : _NK + 3], w)

    _SLAB = 16 * _ROWS * 128
    pidx = jnp.arange(_SLAB, dtype=jnp.int32)
    dummy = _DUMMY0 + ((pidx * 16) & 2097151)
    kA = k0[:_SLAB]
    kB = k0[_NK - _SLAB:]
    idx0 = jnp.where(kA < _HALF, kA, dummy)
    idx1 = jnp.where((kB >= _HALF) & (kB < 2 * _HALF), kB, dummy)
    idx_all = jnp.stack([idx0, idx1]).reshape(2, 16, _ROWS, 128)
    vals2d = jnp.stack([w[:_SLAB], w[_NK - _SLAB:]]).reshape(2, 16, _ROWS, 128)

    flat = _sc_scatter(idx_all, vals2d)
    dense = flat[:16777216].reshape(4096, 4096).astype(jnp.bfloat16)

    c_bf = jnp.asarray(_C_BF16)
    sn_bf = jnp.asarray(_SN_BF16)
    return _transform(dense, c_bf, sn_bf, 4096, 1024, 1024, 1024,
                      SCALE / (4096.0 * 4096.0))

# --- scband reference (transcript-rebuilt; emitter-appended) ---
"""Pipeline reference for scband-fourier-ftlayer-9474697855631 (READ-ONLY COPY).

The authoritative reference and input builder live on the scoring server;
editing this copy changes nothing except your own understanding.
"""

import jax, jax.numpy as jnp
import numpy as np

OUT_F = 4096
IN_F = 4096
N_FREQ = 100000
SCALING = 150.0

def setup_inputs(seed: int = 0) -> dict:
    key = jax.random.key(seed)
    k1, k2, k3, k4 = jax.random.split(key, 4)
    spectrum_mu = jax.random.normal(k1, (N_FREQ,), dtype=jnp.float32)
    # rho ~ N(-3, 0.1) as in the torch init
    spectrum_rho = jax.random.normal(k2, (N_FREQ,), dtype=jnp.float32) * 0.1 - 3.0
    eps = jax.random.normal(k3, (N_FREQ,), dtype=jnp.float32)
    # row indices in [0, OUT_F), col indices in [0, IN_F)
    indices = jax.random.randint(k4, (2, N_FREQ), 0, 4096, dtype=jnp.int32)
    return {"spectrum_mu": spectrum_mu, "spectrum_rho": spectrum_rho, "eps": eps, "indices": indices}

def reference(spectrum_mu, spectrum_rho, eps, indices):
    # spectrum_sigma = log1p(exp(rho)); spectrum = mu + sigma * eps (reparameterization)
    spectrum_sigma = jnp.log1p(jnp.exp(spectrum_rho))
    spectrum = spectrum_mu + spectrum_sigma * eps
    # scatter-overwrite sparse spectrum into dense [out_features, in_features] grid
    dense_spectrum = jnp.zeros((OUT_F, IN_F), dtype=jnp.float32).at[indices[0, :], indices[1, :]].set(spectrum.astype(jnp.float32))
    dense_spectrum = jnp.fft.ifftshift(dense_spectrum)
    delta_weight = jnp.fft.ifft2(dense_spectrum).real * SCALING
    return delta_weight

if __name__ == "__main__":
    import jax
    _d = setup_inputs()
    print(jax.jit(kernel)(*tuple(_d.values())))

</pallas_src>

<mosaic_0001>
#map = affine_map<(d0, d1) -> (0, 0, 0, 0)>
#map1 = affine_map<(d0, d1) -> (0)>
module attributes {stable_mosaic.version = 14 : i64} {
  func.func @_sc_scatter_body(%arg0: i32, %arg1: i32, %arg2: memref<2x16x26x128xi32, #tpu.memory_space<hbm>>, %arg3: memref<2x16x26x128xf32, #tpu.memory_space<hbm>>, %arg4: memref<18874368xf32, #tpu.memory_space<hbm>>, %arg5: memref<65536xf32, #tpu.memory_space<vmem>>, %arg6: memref<26x128xi32, #tpu.memory_space<vmem>>, %arg7: memref<26x128xf32, #tpu.memory_space<vmem>>, %arg8: memref<!tpu.dma_semaphore, #tpu.memory_space<semaphore_mem>>, %arg9: memref<!tpu.dma_semaphore, #tpu.memory_space<semaphore_mem>>) attributes {dimension_semantics = [#tpu.dimension_semantics<core_parallel>, #tpu.dimension_semantics<subcore_parallel>], iteration_bounds = array<i64: 2, 16>, scalar_prefetch = 0 : i64, scratch_operands = 5 : i64, tpu.core_type = #tpu.core_type<sc_vector_subcore>, window_params = [{transform_indices = #map}, {transform_indices = #map}, {transform_indices = #map1}]} {
    %scan3A = arith.constant 0 : i32
    %scan3A_0 = arith.constant 0 : i32
    %scan3A_1 = arith.constant 4096 : i32
    %scan3A_2 = arith.addi %scan3A_0, %scan3A_1 : i32
    %scan3A_3 = arith.constant 1 : i32
    scf.for %scan3A_574 = %scan3A_0 to %scan3A_2 step %scan3A_3  : i32 {
      %broadcast_in_dim3A = arith.constant 0.000000e+00 : f32
      %broadcast_in_dim3A_575 = vector.broadcast %broadcast_in_dim3A : f32 to vector<16xf32>
      %mul3A_576 = arith.constant 16 : i32
      %mul3A_577 = arith.muli %scan3A_574, %mul3A_576 : i32
      %swap3A = arith.index_cast %mul3A_577 : i32 to index
      %swap3A_578 = tpu.vector_load %arg5[%swap3A] {strides = array<i32>} : memref<65536xf32, #tpu.memory_space<vmem>>, vector<16xf32>,
      %swap3A_579 = vector.shape_cast %swap3A_578 : vector<16xf32> to vector<16xf32>
      %swap3A_580 = vector.shape_cast %broadcast_in_dim3A_575 : vector<16xf32> to vector<16xf32>
      tpu.vector_store %arg5[%swap3A], %swap3A_580 {strides = array<i32>} : memref<65536xf32, #tpu.memory_space<vmem>>, vector<16xf32>,
    }
    %scan3A_4 = arith.constant 4096 : i32
    %mul3A = arith.constant 8388608 : i32
    %mul3A_5 = arith.muli %arg0, %mul3A : i32
    %mul3A_6 = arith.constant 524288 : i32
    %mul3A_7 = arith.muli %arg1, %mul3A_6 : i32
    %add3A = arith.addi %mul3A_5, %mul3A_7 : i32
    %add3A_8 = arith.constant 0 : i32
    %add3A_9 = arith.addi %add3A, %add3A_8 : i32
    %dma_start3A = tpu.memref_slice %arg4[%add3A_9] : memref<18874368xf32, #tpu.memory_space<hbm>> -> memref<65536xf32, #tpu.memory_space<hbm>>
    %dma_start3A_10 = tpu.memref_slice %arg4[%add3A_9] : memref<18874368xf32, #tpu.memory_space<hbm>> -> memref<65536xf32, #tpu.memory_space<hbm>>
    tpu.enqueue_dma source(%arg5 : memref<65536xf32, #tpu.memory_space<vmem>>) target(%dma_start3A_10 : memref<65536xf32, #tpu.memory_space<hbm>>) target_semaphore(%arg9 : memref<!tpu.dma_semaphore, #tpu.memory_space<semaphore_mem>>)
    %add3A_11 = arith.constant 65536 : i32
    %add3A_12 = arith.addi %add3A, %add3A_11 : i32
    %dma_start3A_13 = tpu.memref_slice %arg4[%add3A_12] : memref<18874368xf32, #tpu.memory_space<hbm>> -> memref<65536xf32, #tpu.memory_space<hbm>>
    %dma_start3A_14 = tpu.memref_slice %arg4[%add3A_12] : memref<18874368xf32, #tpu.memory_space<hbm>> -> memref<65536xf32, #tpu.memory_space<hbm>>
    tpu.enqueue_dma source(%arg5 : memref<65536xf32, #tpu.memory_space<vmem>>) target(%dma_start3A_14 : memref<65536xf32, #tpu.memory_space<hbm>>) target_semaphore(%arg9 : memref<!tpu.dma_semaphore, #tpu.memory_space<semaphore_mem>>)
    %add3A_15 = arith.constant 131072 : i32
    %add3A_16 = arith.addi %add3A, %add3A_15 : i32
    %dma_start3A_17 = tpu.memref_slice %arg4[%add3A_16] : memref<18874368xf32, #tpu.memory_space<hbm>> -> memref<65536xf32, #tpu.memory_space<hbm>>
    %dma_start3A_18 = tpu.memref_slice %arg4[%add3A_16] : memref<18874368xf32, #tpu.memory_space<hbm>> -> memref<65536xf32, #tpu.memory_space<hbm>>
    tpu.enqueue_dma source(%arg5 : memref<65536xf32, #tpu.memory_space<vmem>>) target(%dma_start3A_18 : memref<65536xf32, #tpu.memory_space<hbm>>) target_semaphore(%arg9 : memref<!tpu.dma_semaphore, #tpu.memory_space<semaphore_mem>>)
    %add3A_19 = arith.constant 196608 : i32
    %add3A_20 = arith.addi %add3A, %add3A_19 : i32
    %dma_start3A_21 = tpu.memref_slice %arg4[%add3A_20] : memref<18874368xf32, #tpu.memory_space<hbm>> -> memref<65536xf32, #tpu.memory_space<hbm>>
    %dma_start3A_22 = tpu.memref_slice %arg4[%add3A_20] : memref<18874368xf32, #tpu.memory_space<hbm>> -> memref<65536xf32, #tpu.memory_space<hbm>>
    tpu.enqueue_dma source(%arg5 : memref<65536xf32, #tpu.memory_space<vmem>>) target(%dma_start3A_22 : memref<65536xf32, #tpu.memory_space<hbm>>) target_semaphore(%arg9 : memref<!tpu.dma_semaphore, #tpu.memory_space<semaphore_mem>>)
    %add3A_23 = arith.constant 262144 : i32
    %add3A_24 = arith.addi %add3A, %add3A_23 : i32
    %dma_start3A_25 = tpu.memref_slice %arg4[%add3A_24] : memref<18874368xf32, #tpu.memory_space<hbm>> -> memref<65536xf32, #tpu.memory_space<hbm>>
    %dma_start3A_26 = tpu.memref_slice %arg4[%add3A_24] : memref<18874368xf32, #tpu.memory_space<hbm>> -> memref<65536xf32, #tpu.memory_space<hbm>>
    tpu.enqueue_dma source(%arg5 : memref<65536xf32, #tpu.memory_space<vmem>>) target(%dma_start3A_26 : memref<65536xf32, #tpu.memory_space<hbm>>) target_semaphore(%arg9 : memref<!tpu.dma_semaphore, #tpu.memory_space<semaphore_mem>>)
    %add3A_27 = arith.constant 327680 : i32
    %add3A_28 = arith.addi %add3A, %add3A_27 : i32
    %dma_start3A_29 = tpu.memref_slice %arg4[%add3A_28] : memref<18874368xf32, #tpu.memory_space<hbm>> -> memref<65536xf32, #tpu.memory_space<hbm>>
    %dma_start3A_30 = tpu.memref_slice %arg4[%add3A_28] : memref<18874368xf32, #tpu.memory_space<hbm>> -> memref<65536xf32, #tpu.memory_space<hbm>>
    tpu.enqueue_dma source(%arg5 : memref<65536xf32, #tpu.memory_space<vmem>>) target(%dma_start3A_30 : memref<65536xf32, #tpu.memory_space<hbm>>) target_semaphore(%arg9 : memref<!tpu.dma_semaphore, #tpu.memory_space<semaphore_mem>>)
    %add3A_31 = arith.constant 393216 : i32
    %add3A_32 = arith.addi %add3A, %add3A_31 : i32
    %dma_start3A_33 = tpu.memref_slice %arg4[%add3A_32] : memref<18874368xf32, #tpu.memory_space<hbm>> -> memref<65536xf32, #tpu.memory_space<hbm>>
    %dma_start3A_34 = tpu.memref_slice %arg4[%add3A_32] : memref<18874368xf32, #tpu.memory_space<hbm>> -> memref<65536xf32, #tpu.memory_space<hbm>>
    tpu.enqueue_dma source(%arg5 : memref<65536xf32, #tpu.memory_space<vmem>>) target(%dma_start3A_34 : memref<65536xf32, #tpu.memory_space<hbm>>) target_semaphore(%arg9 : memref<!tpu.dma_semaphore, #tpu.memory_space<semaphore_mem>>)
    %add3A_35 = arith.constant 458752 : i32
    %add3A_36 = arith.addi %add3A, %add3A_35 : i32
    %dma_start3A_37 = tpu.memref_slice %arg4[%add3A_36] : memref<18874368xf32, #tpu.memory_space<hbm>> -> memref<65536xf32, #tpu.memory_space<hbm>>
    %dma_start3A_38 = tpu.memref_slice %arg4[%add3A_36] : memref<18874368xf32, #tpu.memory_space<hbm>> -> memref<65536xf32, #tpu.memory_space<hbm>>
    tpu.enqueue_dma source(%arg5 : memref<65536xf32, #tpu.memory_space<vmem>>) target(%dma_start3A_38 : memref<65536xf32, #tpu.memory_space<hbm>>) target_semaphore(%arg9 : memref<!tpu.dma_semaphore, #tpu.memory_space<semaphore_mem>>)
    %dma_wait3A = tpu.memref_slice %arg4[%add3A_9] : memref<18874368xf32, #tpu.memory_space<hbm>> -> memref<65536xf32, #tpu.memory_space<hbm>>
    %dma_wait3A_39 = tpu.memref_slice %arg4[%add3A_9] : memref<18874368xf32, #tpu.memory_space<hbm>> -> memref<65536xf32, #tpu.memory_space<hbm>>
    tpu.wait_dma2 semaphore(%arg9 : memref<!tpu.dma_semaphore, #tpu.memory_space<semaphore_mem>>) src(%arg5 : memref<65536xf32, #tpu.memory_space<vmem>>) dst(%dma_wait3A_39 : memref<65536xf32, #tpu.memory_space<hbm>>)
    %dma_wait3A_40 = tpu.memref_slice %arg4[%add3A_12] : memref<18874368xf32, #tpu.memory_space<hbm>> -> memref<65536xf32, #tpu.memory_space<hbm>>
    %dma_wait3A_41 = tpu.memref_slice %arg4[%add3A_12] : memref<18874368xf32, #tpu.memory_space<hbm>> -> memref<65536xf32, #tpu.memory_space<hbm>>
    tpu.wait_dma2 semaphore(%arg9 : memref<!tpu.dma_semaphore, #tpu.memory_space<semaphore_mem>>) src(%arg5 : memref<65536xf32, #tpu.memory_space<vmem>>) dst(%dma_wait3A_41 : memref<65536xf32, #tpu.memory_space<hbm>>)
    %dma_wait3A_42 = tpu.memref_slice %arg4[%add3A_16] : memref<18874368xf32, #tpu.memory_space<hbm>> -> memref<65536xf32, #tpu.memory_space<hbm>>
    %dma_wait3A_43 = tpu.memref_slice %arg4[%add3A_16] : memref<18874368xf32, #tpu.memory_space<hbm>> -> memref<65536xf32, #tpu.memory_space<hbm>>
    tpu.wait_dma2 semaphore(%arg9 : memref<!tpu.dma_semaphore, #tpu.memory_space<semaphore_mem>>) src(%arg5 : memref<65536xf32, #tpu.memory_space<vmem>>) dst(%dma_wait3A_43 : memref<65536xf32, #tpu.memory_space<hbm>>)
    %dma_wait3A_44 = tpu.memref_slice %arg4[%add3A_20] : memref<18874368xf32, #tpu.memory_space<hbm>> -> memref<65536xf32, #tpu.memory_space<hbm>>
    %dma_wait3A_45 = tpu.memref_slice %arg4[%add3A_20] : memref<18874368xf32, #tpu.memory_space<hbm>> -> memref<65536xf32, #tpu.memory_space<hbm>>
    tpu.wait_dma2 semaphore(%arg9 : memref<!tpu.dma_semaphore, #tpu.memory_space<semaphore_mem>>) src(%arg5 : memref<65536xf32, #tpu.memory_space<vmem>>) dst(%dma_wait3A_45 : memref<65536xf32, #tpu.memory_space<hbm>>)
    %dma_wait3A_46 = tpu.memref_slice %arg4[%add3A_24] : memref<18874368xf32, #tpu.memory_space<hbm>> -> memref<65536xf32, #tpu.memory_space<hbm>>
    %dma_wait3A_47 = tpu.memref_slice %arg4[%add3A_24] : memref<18874368xf32, #tpu.memory_space<hbm>> -> memref<65536xf32, #tpu.memory_space<hbm>>
    tpu.wait_dma2 semaphore(%arg9 : memref<!tpu.dma_semaphore, #tpu.memory_space<semaphore_mem>>) src(%arg5 : memref<65536xf32, #tpu.memory_space<vmem>>) dst(%dma_wait3A_47 : memref<65536xf32, #tpu.memory_space<hbm>>)
    %dma_wait3A_48 = tpu.memref_slice %arg4[%add3A_28] : memref<18874368xf32, #tpu.memory_space<hbm>> -> memref<65536xf32, #tpu.memory_space<hbm>>
    %dma_wait3A_49 = tpu.memref_slice %arg4[%add3A_28] : memref<18874368xf32, #tpu.memory_space<hbm>> -> memref<65536xf32, #tpu.memory_space<hbm>>
    tpu.wait_dma2 semaphore(%arg9 : memref<!tpu.dma_semaphore, #tpu.memory_space<semaphore_mem>>) src(%arg5 : memref<65536xf32, #tpu.memory_space<vmem>>) dst(%dma_wait3A_49 : memref<65536xf32, #tpu.memory_space<hbm>>)
    %dma_wait3A_50 = tpu.memref_slice %arg4[%add3A_32] : memref<18874368xf32, #tpu.memory_space<hbm>> -> memref<65536xf32, #tpu.memory_space<hbm>>
    %dma_wait3A_51 = tpu.memref_slice %arg4[%add3A_32] : memref<18874368xf32, #tpu.memory_space<hbm>> -> memref<65536xf32, #tpu.memory_space<hbm>>
    tpu.wait_dma2 semaphore(%arg9 : memref<!tpu.dma_semaphore, #tpu.memory_space<semaphore_mem>>) src(%arg5 : memref<65536xf32, #tpu.memory_space<vmem>>) dst(%dma_wait3A_51 : memref<65536xf32, #tpu.memory_space<hbm>>)
    %dma_wait3A_52 = tpu.memref_slice %arg4[%add3A_36] : memref<18874368xf32, #tpu.memory_space<hbm>> -> memref<65536xf32, #tpu.memory_space<hbm>>
    %dma_wait3A_53 = tpu.memref_slice %arg4[%add3A_36] : memref<18874368xf32, #tpu.memory_space<hbm>> -> memref<65536xf32, #tpu.memory_space<hbm>>
    tpu.wait_dma2 semaphore(%arg9 : memref<!tpu.dma_semaphore, #tpu.memory_space<semaphore_mem>>) src(%arg5 : memref<65536xf32, #tpu.memory_space<vmem>>) dst(%dma_wait3A_53 : memref<65536xf32, #tpu.memory_space<hbm>>)
    %barrier3A = arith.constant 0 : index
    tpu.barrier barrier_id(%barrier3A)
    "tpu.region"() ({
      %run_scoped3A = tpu.sem_alloc : memref<!tpu.dma_semaphore, #tpu.memory_space<semaphore_mem>>
      %dma_start3A_574 = arith.constant 0 : i32
      %dma_start3A_575 = arith.constant 0 : i32
      %dma_start3A_576 = tpu.memref_slice %arg2[%arg0, %arg1, %dma_start3A_574, %dma_start3A_575] : memref<2x16x26x128xi32, #tpu.memory_space<hbm>> -> memref<1x1x26x128xi32, #tpu.memory_space<hbm>>
      %dma_start3A_577 = tpu.memref_squeeze %dma_start3A_576 : memref<1x1x26x128xi32, #tpu.memory_space<hbm>> -> memref<26x128xi32, #tpu.memory_space<hbm>>
      %dma_start3A_578 = arith.constant 0 : i32
      %dma_start3A_579 = arith.constant 0 : i32
      %dma_start3A_580 = tpu.memref_slice %arg2[%arg0, %arg1, %dma_start3A_578, %dma_start3A_579] : memref<2x16x26x128xi32, #tpu.memory_space<hbm>> -> memref<1x1x26x128xi32, #tpu.memory_space<hbm>>
      %dma_start3A_581 = tpu.memref_squeeze %dma_start3A_580 : memref<1x1x26x128xi32, #tpu.memory_space<hbm>> -> memref<26x128xi32, #tpu.memory_space<hbm>>
      tpu.enqueue_dma source(%dma_start3A_581 : memref<26x128xi32, #tpu.memory_space<hbm>>) target(%arg6 : memref<26x128xi32, #tpu.memory_space<vmem>>) target_semaphore(%run_scoped3A : memref<!tpu.dma_semaphore, #tpu.memory_space<semaphore_mem>>)
      %dma_wait3A_582 = arith.constant 0 : i32
      %dma_wait3A_583 = arith.constant 0 : i32
      %dma_wait3A_584 = tpu.memref_slice %arg2[%arg0, %arg1, %dma_wait3A_582, %dma_wait3A_583] : memref<2x16x26x128xi32, #tpu.memory_space<hbm>> -> memref<1x1x26x128xi32, #tpu.memory_space<hbm>>
      %dma_wait3A_585 = tpu.memref_squeeze %dma_wait3A_584 : memref<1x1x26x128xi32, #tpu.memory_space<hbm>> -> memref<26x128xi32, #tpu.memory_space<hbm>>
      %dma_wait3A_586 = arith.constant 0 : i32
      %dma_wait3A_587 = arith.constant 0 : i32
      %dma_wait3A_588 = tpu.memref_slice %arg2[%arg0, %arg1, %dma_wait3A_586, %dma_wait3A_587] : memref<2x16x26x128xi32, #tpu.memory_space<hbm>> -> memref<1x1x26x128xi32, #tpu.memory_space<hbm>>
      %dma_wait3A_589 = tpu.memref_squeeze %dma_wait3A_588 : memref<1x1x26x128xi32, #tpu.memory_space<hbm>> -> memref<26x128xi32, #tpu.memory_space<hbm>>
      tpu.wait_dma2 semaphore(%run_scoped3A : memref<!tpu.dma_semaphore, #tpu.memory_space<semaphore_mem>>) src(%dma_wait3A_589 : memref<26x128xi32, #tpu.memory_space<hbm>>) dst(%arg6 : memref<26x128xi32, #tpu.memory_space<vmem>>)
      tpu.yield
    }) : () -> ()
    "tpu.region"() ({
      %run_scoped3A = tpu.sem_alloc : memref<!tpu.dma_semaphore, #tpu.memory_space<semaphore_mem>>
      %dma_start3A_574 = arith.constant 0 : i32
      %dma_start3A_575 = arith.constant 0 : i32
      %dma_start3A_576 = tpu.memref_slice %arg3[%arg0, %arg1, %dma_start3A_574, %dma_start3A_575] : memref<2x16x26x128xf32, #tpu.memory_space<hbm>> -> memref<1x1x26x128xf32, #tpu.memory_space<hbm>>
      %dma_start3A_577 = tpu.memref_squeeze %dma_start3A_576 : memref<1x1x26x128xf32, #tpu.memory_space<hbm>> -> memref<26x128xf32, #tpu.memory_space<hbm>>
      %dma_start3A_578 = arith.constant 0 : i32
      %dma_start3A_579 = arith.constant 0 : i32
      %dma_start3A_580 = tpu.memref_slice %arg3[%arg0, %arg1, %dma_start3A_578, %dma_start3A_579] : memref<2x16x26x128xf32, #tpu.memory_space<hbm>> -> memref<1x1x26x128xf32, #tpu.memory_space<hbm>>
      %dma_start3A_581 = tpu.memref_squeeze %dma_start3A_580 : memref<1x1x26x128xf32, #tpu.memory_space<hbm>> -> memref<26x128xf32, #tpu.memory_space<hbm>>
      tpu.enqueue_dma source(%dma_start3A_581 : memref<26x128xf32, #tpu.memory_space<hbm>>) target(%arg7 : memref<26x128xf32, #tpu.memory_space<vmem>>) target_semaphore(%run_scoped3A : memref<!tpu.dma_semaphore, #tpu.memory_space<semaphore_mem>>)
      %dma_wait3A_582 = arith.constant 0 : i32
      %dma_wait3A_583 = arith.constant 0 : i32
      %dma_wait3A_584 = tpu.memref_slice %arg3[%arg0, %arg1, %dma_wait3A_582, %dma_wait3A_583] : memref<2x16x26x128xf32, #tpu.memory_space<hbm>> -> memref<1x1x26x128xf32, #tpu.memory_space<hbm>>
      %dma_wait3A_585 = tpu.memref_squeeze %dma_wait3A_584 : memref<1x1x26x128xf32, #tpu.memory_space<hbm>> -> memref<26x128xf32, #tpu.memory_space<hbm>>
      %dma_wait3A_586 = arith.constant 0 : i32
      %dma_wait3A_587 = arith.constant 0 : i32
      %dma_wait3A_588 = tpu.memref_slice %arg3[%arg0, %arg1, %dma_wait3A_586, %dma_wait3A_587] : memref<2x16x26x128xf32, #tpu.memory_space<hbm>> -> memref<1x1x26x128xf32, #tpu.memory_space<hbm>>
      %dma_wait3A_589 = tpu.memref_squeeze %dma_wait3A_588 : memref<1x1x26x128xf32, #tpu.memory_space<hbm>> -> memref<26x128xf32, #tpu.memory_space<hbm>>
      tpu.wait_dma2 semaphore(%run_scoped3A : memref<!tpu.dma_semaphore, #tpu.memory_space<semaphore_mem>>) src(%dma_wait3A_589 : memref<26x128xf32, #tpu.memory_space<hbm>>) dst(%arg7 : memref<26x128xf32, #tpu.memory_space<vmem>>)
      tpu.yield
    }) : () -> ()
    %dma_start3A_54 = arith.constant 0 : i32
    %dma_start3A_55 = arith.constant 0 : i32
    %dma_start3A_56 = arith.constant 0 : i32
    %dma_start3A_57 = tpu.memref_slice %arg7[%dma_start3A_54, %dma_start3A_56] : memref<26x128xf32, #tpu.memory_space<vmem>> -> memref<1x128xf32, #tpu.memory_space<vmem>>
    %dma_start3A_58 = tpu.memref_squeeze %dma_start3A_57 : memref<1x128xf32, #tpu.memory_space<vmem>> -> memref<128xf32, #tpu.memory_space<vmem>>
    %dma_start3A_59 = arith.constant 0 : i32
    %dma_start3A_60 = tpu.memref_slice %arg6[%dma_start3A_55, %dma_start3A_59] : memref<26x128xi32, #tpu.memory_space<vmem>> -> memref<1x128xi32, #tpu.memory_space<vmem>>
    %dma_start3A_61 = tpu.memref_squeeze %dma_start3A_60 : memref<1x128xi32, #tpu.memory_space<vmem>> -> memref<128xi32, #tpu.memory_space<vmem>>
    %dma_start3A_62 = arith.constant 0 : i32
    %dma_start3A_63 = tpu.memref_slice %arg4[%dma_start3A_62] : memref<18874368xf32, #tpu.memory_space<hbm>> -> memref<18874368xf32, #tpu.memory_space<hbm>>
    tpu.enqueue_indirect_dma source(%dma_start3A_58 : memref<128xf32, #tpu.memory_space<vmem>>) target(%dma_start3A_63 : memref<18874368xf32, #tpu.memory_space<hbm>>) offsets(%dma_start3A_61 : memref<128xi32, #tpu.memory_space<vmem>>) semaphore(%arg8 : memref<!tpu.dma_semaphore, #tpu.memory_space<semaphore_mem>>)
    %dma_start3A_64 = arith.constant 1 : i32
    %dma_start3A_65 = arith.constant 1 : i32
    %dma_start3A_66 = arith.constant 0 : i32
    %dma_start3A_67 = tpu.memref_slice %arg7[%dma_start3A_64, %dma_start3A_66] : memref<26x128xf32, #tpu.memory_space<vmem>> -> memref<1x128xf32, #tpu.memory_space<vmem>>
    %dma_start3A_68 = tpu.memref_squeeze %dma_start3A_67 : memref<1x128xf32, #tpu.memory_space<vmem>> -> memref<128xf32, #tpu.memory_space<vmem>>
    %dma_start3A_69 = arith.constant 0 : i32
    %dma_start3A_70 = tpu.memref_slice %arg6[%dma_start3A_65, %dma_start3A_69] : memref<26x128xi32, #tpu.memory_space<vmem>> -> memref<1x128xi32, #tpu.memory_space<vmem>>
    %dma_start3A_71 = tpu.memref_squeeze %dma_start3A_70 : memref<1x128xi32, #tpu.memory_space<vmem>> -> memref<128xi32, #tpu.memory_space<vmem>>
    %dma_start3A_72 = arith.constant 0 : i32
    %dma_start3A_73 = tpu.memref_slice %arg4[%dma_start3A_72] : memref<18874368xf32, #tpu.memory_space<hbm>> -> memref<18874368xf32, #tpu.memory_space<hbm>>
    tpu.enqueue_indirect_dma source(%dma_start3A_68 : memref<128xf32, #tpu.memory_space<vmem>>) target(%dma_start3A_73 : memref<18874368xf32, #tpu.memory_space<hbm>>) offsets(%dma_start3A_71 : memref<128xi32, #tpu.memory_space<vmem>>) semaphore(%arg8 : memref<!tpu.dma_semaphore, #tpu.memory_space<semaphore_mem>>)
    %dma_start3A_74 = arith.constant 2 : i32
    %dma_start3A_75 = arith.constant 2 : i32
    %dma_start3A_76 = arith.constant 0 : i32
    %dma_start3A_77 = tpu.memref_slice %arg7[%dma_start3A_74, %dma_start3A_76] : memref<26x128xf32, #tpu.memory_space<vmem>> -> memref<1x128xf32, #tpu.memory_space<vmem>>
    %dma_start3A_78 = tpu.memref_squeeze %dma_start3A_77 : memref<1x128xf32, #tpu.memory_space<vmem>> -> memref<128xf32, #tpu.memory_space<vmem>>
    %dma_start3A_79 = arith.constant 0 : i32
    %dma_start3A_80 = tpu.memref_slice %arg6[%dma_start3A_75, %dma_start3A_79] : memref<26x128xi32, #tpu.memory_space<vmem>> -> memref<1x128xi32, #tpu.memory_space<vmem>>
    %dma_start3A_81 = tpu.memref_squeeze %dma_start3A_80 : memref<1x128xi32, #tpu.memory_space<vmem>> -> memref<128xi32, #tpu.memory_space<vmem>>
    %dma_start3A_82 = arith.constant 0 : i32
    %dma_start3A_83 = tpu.memref_slice %arg4[%dma_start3A_82] : memref<18874368xf32, #tpu.memory_space<hbm>> -> memref<18874368xf32, #tpu.memory_space<hbm>>
    tpu.enqueue_indirect_dma source(%dma_start3A_78 : memref<128xf32, #tpu.memory_space<vmem>>) target(%dma_start3A_83 : memref<18874368xf32, #tpu.memory_space<hbm>>) offsets(%dma_start3A_81 : memref<128xi32, #tpu.memory_space<vmem>>) semaphore(%arg8 : memref<!tpu.dma_semaphore, #tpu.memory_space<semaphore_mem>>)
    %dma_start3A_84 = arith.constant 3 : i32
    %dma_start3A_85 = arith.constant 3 : i32
    %dma_start3A_86 = arith.constant 0 : i32
    %dma_start3A_87 = tpu.memref_slice %arg7[%dma_start3A_84, %dma_start3A_86] : memref<26x128xf32, #tpu.memory_space<vmem>> -> memref<1x128xf32, #tpu.memory_space<vmem>>
    %dma_start3A_88 = tpu.memref_squeeze %dma_start3A_87 : memref<1x128xf32, #tpu.memory_space<vmem>> -> memref<128xf32, #tpu.memory_space<vmem>>
    %dma_start3A_89 = arith.constant 0 : i32
    %dma_start3A_90 = tpu.memref_slice %arg6[%dma_start3A_85, %dma_start3A_89] : memref<26x128xi32, #tpu.memory_space<vmem>> -> memref<1x128xi32, #tpu.memory_space<vmem>>
    %dma_start3A_91 = tpu.memref_squeeze %dma_start3A_90 : memref<1x128xi32, #tpu.memory_space<vmem>> -> memref<128xi32, #tpu.memory_space<vmem>>
    %dma_start3A_92 = arith.constant 0 : i32
    %dma_start3A_93 = tpu.memref_slice %arg4[%dma_start3A_92] : memref<18874368xf32, #tpu.memory_space<hbm>> -> memref<18874368xf32, #tpu.memory_space<hbm>>
    tpu.enqueue_indirect_dma source(%dma_start3A_88 : memref<128xf32, #tpu.memory_space<vmem>>) target(%dma_start3A_93 : memref<18874368xf32, #tpu.memory_space<hbm>>) offsets(%dma_start3A_91 : memref<128xi32, #tpu.memory_space<vmem>>) semaphore(%arg8 : memref<!tpu.dma_semaphore, #tpu.memory_space<semaphore_mem>>)
    %dma_start3A_94 = arith.constant 4 : i32
    %dma_start3A_95 = arith.constant 4 : i32
    %dma_start3A_96 = arith.constant 0 : i32
    %dma_start3A_97 = tpu.memref_slice %arg7[%dma_start3A_94, %dma_start3A_96] : memref<26x128xf32, #tpu.memory_space<vmem>> -> memref<1x128xf32, #tpu.memory_space<vmem>>
    %dma_start3A_98 = tpu.memref_squeeze %dma_start3A_97 : memref<1x128xf32, #tpu.memory_space<vmem>> -> memref<128xf32, #tpu.memory_space<vmem>>
    %dma_start3A_99 = arith.constant 0 : i32
    %dma_start3A_100 = tpu.memref_slice %arg6[%dma_start3A_95, %dma_start3A_99] : memref<26x128xi32, #tpu.memory_space<vmem>> -> memref<1x128xi32, #tpu.memory_space<vmem>>
    %dma_start3A_101 = tpu.memref_squeeze %dma_start3A_100 : memref<1x128xi32, #tpu.memory_space<vmem>> -> memref<128xi32, #tpu.memory_space<vmem>>
    %dma_start3A_102 = arith.constant 0 : i32
    %dma_start3A_103 = tpu.memref_slice %arg4[%dma_start3A_102] : memref<18874368xf32, #tpu.memory_space<hbm>> -> memref<18874368xf32, #tpu.memory_space<hbm>>
    tpu.enqueue_indirect_dma source(%dma_start3A_98 : memref<128xf32, #tpu.memory_space<vmem>>) target(%dma_start3A_103 : memref<18874368xf32, #tpu.memory_space<hbm>>) offsets(%dma_start3A_101 : memref<128xi32, #tpu.memory_space<vmem>>) semaphore(%arg8 : memref<!tpu.dma_semaphore, #tpu.memory_space<semaphore_mem>>)
    %dma_start3A_104 = arith.constant 5 : i32
    %dma_start3A_105 = arith.constant 5 : i32
    %dma_start3A_106 = arith.constant 0 : i32
    %dma_start3A_107 = tpu.memref_slice %arg7[%dma_start3A_104, %dma_start3A_106] : memref<26x128xf32, #tpu.memory_space<vmem>> -> memref<1x128xf32, #tpu.memory_space<vmem>>
    %dma_start3A_108 = tpu.memref_squeeze %dma_start3A_107 : memref<1x128xf32, #tpu.memory_space<vmem>> -> memref<128xf32, #tpu.memory_space<vmem>>
    %dma_start3A_109 = arith.constant 0 : i32
    %dma_start3A_110 = tpu.memref_slice %arg6[%dma_start3A_105, %dma_start3A_109] : memref<26x128xi32, #tpu.memory_space<vmem>> -> memref<1x128xi32, #tpu.memory_space<vmem>>
    %dma_start3A_111 = tpu.memref_squeeze %dma_start3A_110 : memref<1x128xi32, #tpu.memory_space<vmem>> -> memref<128xi32, #tpu.memory_space<vmem>>
    %dma_start3A_112 = arith.constant 0 : i32
    %dma_start3A_113 = tpu.memref_slice %arg4[%dma_start3A_112] : memref<18874368xf32, #tpu.memory_space<hbm>> -> memref<18874368xf32, #tpu.memory_space<hbm>>
    tpu.enqueue_indirect_dma source(%dma_start3A_108 : memref<128xf32, #tpu.memory_space<vmem>>) target(%dma_start3A_113 : memref<18874368xf32, #tpu.memory_space<hbm>>) offsets(%dma_start3A_111 : memref<128xi32, #tpu.memory_space<vmem>>) semaphore(%arg8 : memref<!tpu.dma_semaphore, #tpu.memory_space<semaphore_mem>>)
    %dma_start3A_114 = arith.constant 6 : i32
    %dma_start3A_115 = arith.constant 6 : i32
    %dma_start3A_116 = arith.constant 0 : i32
    %dma_start3A_117 = tpu.memref_slice %arg7[%dma_start3A_114, %dma_start3A_116] : memref<26x128xf32, #tpu.memory_space<vmem>> -> memref<1x128xf32, #tpu.memory_space<vmem>>
    %dma_start3A_118 = tpu.memref_squeeze %dma_start3A_117 : memref<1x128xf32, #tpu.memory_space<vmem>> -> memref<128xf32, #tpu.memory_space<vmem>>
    %dma_start3A_119 = arith.constant 0 : i32
    %dma_start3A_120 = tpu.memref_slice %arg6[%dma_start3A_115, %dma_start3A_119] : memref<26x128xi32, #tpu.memory_space<vmem>> -> memref<1x128xi32, #tpu.memory_space<vmem>>
    %dma_start3A_121 = tpu.memref_squeeze %dma_start3A_120 : memref<1x128xi32, #tpu.memory_space<vmem>> -> memref<128xi32, #tpu.memory_space<vmem>>
    %dma_start3A_122 = arith.constant 0 : i32
    %dma_start3A_123 = tpu.memref_slice %arg4[%dma_start3A_122] : memref<18874368xf32, #tpu.memory_space<hbm>> -> memref<18874368xf32, #tpu.memory_space<hbm>>
    tpu.enqueue_indirect_dma source(%dma_start3A_118 : memref<128xf32, #tpu.memory_space<vmem>>) target(%dma_start3A_123 : memref<18874368xf32, #tpu.memory_space<hbm>>) offsets(%dma_start3A_121 : memref<128xi32, #tpu.memory_space<vmem>>) semaphore(%arg8 : memref<!tpu.dma_semaphore, #tpu.memory_space<semaphore_mem>>)
    %dma_start3A_124 = arith.constant 7 : i32
    %dma_start3A_125 = arith.constant 7 : i32
    %dma_start3A_126 = arith.constant 0 : i32
    %dma_start3A_127 = tpu.memref_slice %arg7[%dma_start3A_124, %dma_start3A_126] : memref<26x128xf32, #tpu.memory_space<vmem>> -> memref<1x128xf32, #tpu.memory_space<vmem>>
    %dma_start3A_128 = tpu.memref_squeeze %dma_start3A_127 : memref<1x128xf32, #tpu.memory_space<vmem>> -> memref<128xf32, #tpu.memory_space<vmem>>
    %dma_start3A_129 = arith.constant 0 : i32
    %dma_start3A_130 = tpu.memref_slice %arg6[%dma_start3A_125, %dma_start3A_129] : memref<26x128xi32, #tpu.memory_space<vmem>> -> memref<1x128xi32, #tpu.memory_space<vmem>>
    %dma_start3A_131 = tpu.memref_squeeze %dma_start3A_130 : memref<1x128xi32, #tpu.memory_space<vmem>> -> memref<128xi32, #tpu.memory_space<vmem>>
    %dma_start3A_132 = arith.constant 0 : i32
    %dma_start3A_133 = tpu.memref_slice %arg4[%dma_start3A_132] : memref<18874368xf32, #tpu.memory_space<hbm>> -> memref<18874368xf32, #tpu.memory_space<hbm>>
    tpu.enqueue_indirect_dma source(%dma_start3A_128 : memref<128xf32, #tpu.memory_space<vmem>>) target(%dma_start3A_133 : memref<18874368xf32, #tpu.memory_space<hbm>>) offsets(%dma_start3A_131 : memref<128xi32, #tpu.memory_space<vmem>>) semaphore(%arg8 : memref<!tpu.dma_semaphore, #tpu.memory_space<semaphore_mem>>)
    %dma_start3A_134 = arith.constant 8 : i32
    %dma_start3A_135 = arith.constant 8 : i32
    %dma_start3A_136 = arith.constant 0 : i32
    %dma_start3A_137 = tpu.memref_slice %arg7[%dma_start3A_134, %dma_start3A_136] : memref<26x128xf32, #tpu.memory_space<vmem>> -> memref<1x128xf32, #tpu.memory_space<vmem>>
    %dma_start3A_138 = tpu.memref_squeeze %dma_start3A_137 : memref<1x128xf32, #tpu.memory_space<vmem>> -> memref<128xf32, #tpu.memory_space<vmem>>
    %dma_start3A_139 = arith.constant 0 : i32
    %dma_start3A_140 = tpu.memref_slice %arg6[%dma_start3A_135, %dma_start3A_139] : memref<26x128xi32, #tpu.memory_space<vmem>> -> memref<1x128xi32, #tpu.memory_space<vmem>>
    %dma_start3A_141 = tpu.memref_squeeze %dma_start3A_140 : memref<1x128xi32, #tpu.memory_space<vmem>> -> memref<128xi32, #tpu.memory_space<vmem>>
    %dma_start3A_142 = arith.constant 0 : i32
    %dma_start3A_143 = tpu.memref_slice %arg4[%dma_start3A_142] : memref<18874368xf32, #tpu.memory_space<hbm>> -> memref<18874368xf32, #tpu.memory_space<hbm>>
    tpu.enqueue_indirect_dma source(%dma_start3A_138 : memref<128xf32, #tpu.memory_space<vmem>>) target(%dma_start3A_143 : memref<18874368xf32, #tpu.memory_space<hbm>>) offsets(%dma_start3A_141 : memref<128xi32, #tpu.memory_space<vmem>>) semaphore(%arg8 : memref<!tpu.dma_semaphore, #tpu.memory_space<semaphore_mem>>)
    %dma_start3A_144 = arith.constant 9 : i32
    %dma_start3A_145 = arith.constant 9 : i32
    %dma_start3A_146 = arith.constant 0 : i32
    %dma_start3A_147 = tpu.memref_slice %arg7[%dma_start3A_144, %dma_start3A_146] : memref<26x128xf32, #tpu.memory_space<vmem>> -> memref<1x128xf32, #tpu.memory_space<vmem>>
    %dma_start3A_148 = tpu.memref_squeeze %dma_start3A_147 : memref<1x128xf32, #tpu.memory_space<vmem>> -> memref<128xf32, #tpu.memory_space<vmem>>
    %dma_start3A_149 = arith.constant 0 : i32
    %dma_start3A_150 = tpu.memref_slice %arg6[%dma_start3A_145, %dma_start3A_149] : memref<26x128xi32, #tpu.memory_space<vmem>> -> memref<1x128xi32, #tpu.memory_space<vmem>>
    %dma_start3A_151 = tpu.memref_squeeze %dma_start3A_150 : memref<1x128xi32, #tpu.memory_space<vmem>> -> memref<128xi32, #tpu.memory_space<vmem>>
    %dma_start3A_152 = arith.constant 0 : i32
    %dma_start3A_153 = tpu.memref_slice %arg4[%dma_start3A_152] : memref<18874368xf32, #tpu.memory_space<hbm>> -> memref<18874368xf32, #tpu.memory_space<hbm>>
    tpu.enqueue_indirect_dma source(%dma_start3A_148 : memref<128xf32, #tpu.memory_space<vmem>>) target(%dma_start3A_153 : memref<18874368xf32, #tpu.memory_space<hbm>>) offsets(%dma_start3A_151 : memref<128xi32, #tpu.memory_space<vmem>>) semaphore(%arg8 : memref<!tpu.dma_semaphore, #tpu.memory_space<semaphore_mem>>)
    %dma_start3A_154 = arith.constant 10 : i32
    %dma_start3A_155 = arith.constant 10 : i32
    %dma_start3A_156 = arith.constant 0 : i32
    %dma_start3A_157 = tpu.memref_slice %arg7[%dma_start3A_154, %dma_start3A_156] : memref<26x128xf32, #tpu.memory_space<vmem>> -> memref<1x128xf32, #tpu.memory_space<vmem>>
    %dma_start3A_158 = tpu.memref_squeeze %dma_start3A_157 : memref<1x128xf32, #tpu.memory_space<vmem>> -> memref<128xf32, #tpu.memory_space<vmem>>
    %dma_start3A_159 = arith.constant 0 : i32
    %dma_start3A_160 = tpu.memref_slice %arg6[%dma_start3A_155, %dma_start3A_159] : memref<26x128xi32, #tpu.memory_space<vmem>> -> memref<1x128xi32, #tpu.memory_space<vmem>>
    %dma_start3A_161 = tpu.memref_squeeze %dma_start3A_160 : memref<1x128xi32, #tpu.memory_space<vmem>> -> memref<128xi32, #tpu.memory_space<vmem>>
    %dma_start3A_162 = arith.constant 0 : i32
    %dma_start3A_163 = tpu.memref_slice %arg4[%dma_start3A_162] : memref<18874368xf32, #tpu.memory_space<hbm>> -> memref<18874368xf32, #tpu.memory_space<hbm>>
    tpu.enqueue_indirect_dma source(%dma_start3A_158 : memref<128xf32, #tpu.memory_space<vmem>>) target(%dma_start3A_163 : memref<18874368xf32, #tpu.memory_space<hbm>>) offsets(%dma_start3A_161 : memref<128xi32, #tpu.memory_space<vmem>>) semaphore(%arg8 : memref<!tpu.dma_semaphore, #tpu.memory_space<semaphore_mem>>)
    %dma_start3A_164 = arith.constant 11 : i32
    %dma_start3A_165 = arith.constant 11 : i32
    %dma_start3A_166 = arith.constant 0 : i32
    %dma_start3A_167 = tpu.memref_slice %arg7[%dma_start3A_164, %dma_start3A_166] : memref<26x128xf32, #tpu.memory_space<vmem>> -> memref<1x128xf32, #tpu.memory_space<vmem>>
    %dma_start3A_168 = tpu.memref_squeeze %dma_start3A_167 : memref<1x128xf32, #tpu.memory_space<vmem>> -> memref<128xf32, #tpu.memory_space<vmem>>
    %dma_start3A_169 = arith.constant 0 : i32
    %dma_start3A_170 = tpu.memref_slice %arg6[%dma_start3A_165, %dma_start3A_169] : memref<26x128xi32, #tpu.memory_space<vmem>> -> memref<1x128xi32, #tpu.memory_space<vmem>>
    %dma_start3A_171 = tpu.memref_squeeze %dma_start3A_170 : memref<1x128xi32, #tpu.memory_space<vmem>> -> memref<128xi32, #tpu.memory_space<vmem>>
    %dma_start3A_172 = arith.constant 0 : i32
    %dma_start3A_173 = tpu.memref_slice %arg4[%dma_start3A_172] : memref<18874368xf32, #tpu.memory_space<hbm>> -> memref<18874368xf32, #tpu.memory_space<hbm>>
    tpu.enqueue_indirect_dma source(%dma_start3A_168 : memref<128xf32, #tpu.memory_space<vmem>>) target(%dma_start3A_173 : memref<18874368xf32, #tpu.memory_space<hbm>>) offsets(%dma_start3A_171 : memref<128xi32, #tpu.memory_space<vmem>>) semaphore(%arg8 : memref<!tpu.dma_semaphore, #tpu.memory_space<semaphore_mem>>)
    %dma_start3A_174 = arith.constant 12 : i32
    %dma_start3A_175 = arith.constant 12 : i32
    %dma_start3A_176 = arith.constant 0 : i32
    %dma_start3A_177 = tpu.memref_slice %arg7[%dma_start3A_174, %dma_start3A_176] : memref<26x128xf32, #tpu.memory_space<vmem>> -> memref<1x128xf32, #tpu.memory_space<vmem>>
    %dma_start3A_178 = tpu.memref_squeeze %dma_start3A_177 : memref<1x128xf32, #tpu.memory_space<vmem>> -> memref<128xf32, #tpu.memory_space<vmem>>
    %dma_start3A_179 = arith.constant 0 : i32
    %dma_start3A_180 = tpu.memref_slice %arg6[%dma_start3A_175, %dma_start3A_179] : memref<26x128xi32, #tpu.memory_space<vmem>> -> memref<1x128xi32, #tpu.memory_space<vmem>>
    %dma_start3A_181 = tpu.memref_squeeze %dma_start3A_180 : memref<1x128xi32, #tpu.memory_space<vmem>> -> memref<128xi32, #tpu.memory_space<vmem>>
    %dma_start3A_182 = arith.constant 0 : i32
    %dma_start3A_183 = tpu.memref_slice %arg4[%dma_start3A_182] : memref<18874368xf32, #tpu.memory_space<hbm>> -> memref<18874368xf32, #tpu.memory_space<hbm>>
    tpu.enqueue_indirect_dma source(%dma_start3A_178 : memref<128xf32, #tpu.memory_space<vmem>>) target(%dma_start3A_183 : memref<18874368xf32, #tpu.memory_space<hbm>>) offsets(%dma_start3A_181 : memref<128xi32, #tpu.memory_space<vmem>>) semaphore(%arg8 : memref<!tpu.dma_semaphore, #tpu.memory_space<semaphore_mem>>)
    %dma_start3A_184 = arith.constant 13 : i32
    %dma_start3A_185 = arith.constant 13 : i32
    %dma_start3A_186 = arith.constant 0 : i32
    %dma_start3A_187 = tpu.memref_slice %arg7[%dma_start3A_184, %dma_start3A_186] : memref<26x128xf32, #tpu.memory_space<vmem>> -> memref<1x128xf32, #tpu.memory_space<vmem>>
    %dma_start3A_188 = tpu.memref_squeeze %dma_start3A_187 : memref<1x128xf32, #tpu.memory_space<vmem>> -> memref<128xf32, #tpu.memory_space<vmem>>
    %dma_start3A_189 = arith.constant 0 : i32
    %dma_start3A_190 = tpu.memref_slice %arg6[%dma_start3A_185, %dma_start3A_189] : memref<26x128xi32, #tpu.memory_space<vmem>> -> memref<1x128xi32, #tpu.memory_space<vmem>>
    %dma_start3A_191 = tpu.memref_squeeze %dma_start3A_190 : memref<1x128xi32, #tpu.memory_space<vmem>> -> memref<128xi32, #tpu.memory_space<vmem>>
    %dma_start3A_192 = arith.constant 0 : i32
    %dma_start3A_193 = tpu.memref_slice %arg4[%dma_start3A_192] : memref<18874368xf32, #tpu.memory_space<hbm>> -> memref<18874368xf32, #tpu.memory_space<hbm>>
    tpu.enqueue_indirect_dma source(%dma_start3A_188 : memref<128xf32, #tpu.memory_space<vmem>>) target(%dma_start3A_193 : memref<18874368xf32, #tpu.memory_space<hbm>>) offsets(%dma_start3A_191 : memref<128xi32, #tpu.memory_space<vmem>>) semaphore(%arg8 : memref<!tpu.dma_semaphore, #tpu.memory_space<semaphore_mem>>)
    %dma_start3A_194 = arith.constant 14 : i32
    %dma_start3A_195 = arith.constant 14 : i32
    %dma_start3A_196 = arith.constant 0 : i32
    %dma_start3A_197 = tpu.memref_slice %arg7[%dma_start3A_194, %dma_start3A_196] : memref<26x128xf32, #tpu.memory_space<vmem>> -> memref<1x128xf32, #tpu.memory_space<vmem>>
    %dma_start3A_198 = tpu.memref_squeeze %dma_start3A_197 : memref<1x128xf32, #tpu.memory_space<vmem>> -> memref<128xf32, #tpu.memory_space<vmem>>
    %dma_start3A_199 = arith.constant 0 : i32
    %dma_start3A_200 = tpu.memref_slice %arg6[%dma_start3A_195, %dma_start3A_199] : memref<26x128xi32, #tpu.memory_space<vmem>> -> memref<1x128xi32, #tpu.memory_space<vmem>>
    %dma_start3A_201 = tpu.memref_squeeze %dma_start3A_200 : memref<1x128xi32, #tpu.memory_space<vmem>> -> memref<128xi32, #tpu.memory_space<vmem>>
    %dma_start3A_202 = arith.constant 0 : i32
    %dma_start3A_203 = tpu.memref_slice %arg4[%dma_start3A_202] : memref<18874368xf32, #tpu.memory_space<hbm>> -> memref<18874368xf32, #tpu.memory_space<hbm>>
    tpu.enqueue_indirect_dma source(%dma_start3A_198 : memref<128xf32, #tpu.memory_space<vmem>>) target(%dma_start3A_203 : memref<18874368xf32, #tpu.memory_space<hbm>>) offsets(%dma_start3A_201 : memref<128xi32, #tpu.memory_space<vmem>>) semaphore(%arg8 : memref<!tpu.dma_semaphore, #tpu.memory_space<semaphore_mem>>)
    %dma_start3A_204 = arith.constant 15 : i32
    %dma_start3A_205 = arith.constant 15 : i32
    %dma_start3A_206 = arith.constant 0 : i32
    %dma_start3A_207 = tpu.memref_slice %arg7[%dma_start3A_204, %dma_start3A_206] : memref<26x128xf32, #tpu.memory_space<vmem>> -> memref<1x128xf32, #tpu.memory_space<vmem>>
    %dma_start3A_208 = tpu.memref_squeeze %dma_start3A_207 : memref<1x128xf32, #tpu.memory_space<vmem>> -> memref<128xf32, #tpu.memory_space<vmem>>
    %dma_start3A_209 = arith.constant 0 : i32
    %dma_start3A_210 = tpu.memref_slice %arg6[%dma_start3A_205, %dma_start3A_209] : memref<26x128xi32, #tpu.memory_space<vmem>> -> memref<1x128xi32, #tpu.memory_space<vmem>>
    %dma_start3A_211 = tpu.memref_squeeze %dma_start3A_210 : memref<1x128xi32, #tpu.memory_space<vmem>> -> memref<128xi32, #tpu.memory_space<vmem>>
    %dma_start3A_212 = arith.constant 0 : i32
    %dma_start3A_213 = tpu.memref_slice %arg4[%dma_start3A_212] : memref<18874368xf32, #tpu.memory_space<hbm>> -> memref<18874368xf32, #tpu.memory_space<hbm>>
    tpu.enqueue_indirect_dma source(%dma_start3A_208 : memref<128xf32, #tpu.memory_space<vmem>>) target(%dma_start3A_213 : memref<18874368xf32, #tpu.memory_space<hbm>>) offsets(%dma_start3A_211 : memref<128xi32, #tpu.memory_space<vmem>>) semaphore(%arg8 : memref<!tpu.dma_semaphore, #tpu.memory_space<semaphore_mem>>)
    %dma_start3A_214 = arith.constant 16 : i32
    %dma_start3A_215 = arith.constant 16 : i32
    %dma_start3A_216 = arith.constant 0 : i32
    %dma_start3A_217 = tpu.memref_slice %arg7[%dma_start3A_214, %dma_start3A_216] : memref<26x128xf32, #tpu.memory_space<vmem>> -> memref<1x128xf32, #tpu.memory_space<vmem>>
    %dma_start3A_218 = tpu.memref_squeeze %dma_start3A_217 : memref<1x128xf32, #tpu.memory_space<vmem>> -> memref<128xf32, #tpu.memory_space<vmem>>
    %dma_start3A_219 = arith.constant 0 : i32
    %dma_start3A_220 = tpu.memref_slice %arg6[%dma_start3A_215, %dma_start3A_219] : memref<26x128xi32, #tpu.memory_space<vmem>> -> memref<1x128xi32, #tpu.memory_space<vmem>>
    %dma_start3A_221 = tpu.memref_squeeze %dma_start3A_220 : memref<1x128xi32, #tpu.memory_space<vmem>> -> memref<128xi32, #tpu.memory_space<vmem>>
    %dma_start3A_222 = arith.constant 0 : i32
    %dma_start3A_223 = tpu.memref_slice %arg4[%dma_start3A_222] : memref<18874368xf32, #tpu.memory_space<hbm>> -> memref<18874368xf32, #tpu.memory_space<hbm>>
    tpu.enqueue_indirect_dma source(%dma_start3A_218 : memref<128xf32, #tpu.memory_space<vmem>>) target(%dma_start3A_223 : memref<18874368xf32, #tpu.memory_space<hbm>>) offsets(%dma_start3A_221 : memref<128xi32, #tpu.memory_space<vmem>>) semaphore(%arg8 : memref<!tpu.dma_semaphore, #tpu.memory_space<semaphore_mem>>)
    %dma_start3A_224 = arith.constant 17 : i32
    %dma_start3A_225 = arith.constant 17 : i32
    %dma_start3A_226 = arith.constant 0 : i32
    %dma_start3A_227 = tpu.memref_slice %arg7[%dma_start3A_224, %dma_start3A_226] : memref<26x128xf32, #tpu.memory_space<vmem>> -> memref<1x128xf32, #tpu.memory_space<vmem>>
    %dma_start3A_228 = tpu.memref_squeeze %dma_start3A_227 : memref<1x128xf32, #tpu.memory_space<vmem>> -> memref<128xf32, #tpu.memory_space<vmem>>
    %dma_start3A_229 = arith.constant 0 : i32
    %dma_start3A_230 = tpu.memref_slice %arg6[%dma_start3A_225, %dma_start3A_229] : memref<26x128xi32, #tpu.memory_space<vmem>> -> memref<1x128xi32, #tpu.memory_space<vmem>>
    %dma_start3A_231 = tpu.memref_squeeze %dma_start3A_230 : memref<1x128xi32, #tpu.memory_space<vmem>> -> memref<128xi32, #tpu.memory_space<vmem>>
    %dma_start3A_232 = arith.constant 0 : i32
    %dma_start3A_233 = tpu.memref_slice %arg4[%dma_start3A_232] : memref<18874368xf32, #tpu.memory_space<hbm>> -> memref<18874368xf32, #tpu.memory_space<hbm>>
    tpu.enqueue_indirect_dma source(%dma_start3A_228 : memref<128xf32, #tpu.memory_space<vmem>>) target(%dma_start3A_233 : memref<18874368xf32, #tpu.memory_space<hbm>>) offsets(%dma_start3A_231 : memref<128xi32, #tpu.memory_space<vmem>>) semaphore(%arg8 : memref<!tpu.dma_semaphore, #tpu.memory_space<semaphore_mem>>)
    %dma_start3A_234 = arith.constant 18 : i32
    %dma_start3A_235 = arith.constant 18 : i32
    %dma_start3A_236 = arith.constant 0 : i32
    %dma_start3A_237 = tpu.memref_slice %arg7[%dma_start3A_234, %dma_start3A_236] : memref<26x128xf32, #tpu.memory_space<vmem>> -> memref<1x128xf32, #tpu.memory_space<vmem>>
    %dma_start3A_238 = tpu.memref_squeeze %dma_start3A_237 : memref<1x128xf32, #tpu.memory_space<vmem>> -> memref<128xf32, #tpu.memory_space<vmem>>
    %dma_start3A_239 = arith.constant 0 : i32
    %dma_start3A_240 = tpu.memref_slice %arg6[%dma_start3A_235, %dma_start3A_239] : memref<26x128xi32, #tpu.memory_space<vmem>> -> memref<1x128xi32, #tpu.memory_space<vmem>>
    %dma_start3A_241 = tpu.memref_squeeze %dma_start3A_240 : memref<1x128xi32, #tpu.memory_space<vmem>> -> memref<128xi32, #tpu.memory_space<vmem>>
    %dma_start3A_242 = arith.constant 0 : i32
    %dma_start3A_243 = tpu.memref_slice %arg4[%dma_start3A_242] : memref<18874368xf32, #tpu.memory_space<hbm>> -> memref<18874368xf32, #tpu.memory_space<hbm>>
    tpu.enqueue_indirect_dma source(%dma_start3A_238 : memref<128xf32, #tpu.memory_space<vmem>>) target(%dma_start3A_243 : memref<18874368xf32, #tpu.memory_space<hbm>>) offsets(%dma_start3A_241 : memref<128xi32, #tpu.memory_space<vmem>>) semaphore(%arg8 : memref<!tpu.dma_semaphore, #tpu.memory_space<semaphore_mem>>)
    %dma_start3A_244 = arith.constant 19 : i32
    %dma_start3A_245 = arith.constant 19 : i32
    %dma_start3A_246 = arith.constant 0 : i32
    %dma_start3A_247 = tpu.memref_slice %arg7[%dma_start3A_244, %dma_start3A_246] : memref<26x128xf32, #tpu.memory_space<vmem>> -> memref<1x128xf32, #tpu.memory_space<vmem>>
    %dma_start3A_248 = tpu.memref_squeeze %dma_start3A_247 : memref<1x128xf32, #tpu.memory_space<vmem>> -> memref<128xf32, #tpu.memory_space<vmem>>
    %dma_start3A_249 = arith.constant 0 : i32
    %dma_start3A_250 = tpu.memref_slice %arg6[%dma_start3A_245, %dma_start3A_249] : memref<26x128xi32, #tpu.memory_space<vmem>> -> memref<1x128xi32, #tpu.memory_space<vmem>>
    %dma_start3A_251 = tpu.memref_squeeze %dma_start3A_250 : memref<1x128xi32, #tpu.memory_space<vmem>> -> memref<128xi32, #tpu.memory_space<vmem>>
    %dma_start3A_252 = arith.constant 0 : i32
    %dma_start3A_253 = tpu.memref_slice %arg4[%dma_start3A_252] : memref<18874368xf32, #tpu.memory_space<hbm>> -> memref<18874368xf32, #tpu.memory_space<hbm>>
    tpu.enqueue_indirect_dma source(%dma_start3A_248 : memref<128xf32, #tpu.memory_space<vmem>>) target(%dma_start3A_253 : memref<18874368xf32, #tpu.memory_space<hbm>>) offsets(%dma_start3A_251 : memref<128xi32, #tpu.memory_space<vmem>>) semaphore(%arg8 : memref<!tpu.dma_semaphore, #tpu.memory_space<semaphore_mem>>)
    %dma_start3A_254 = arith.constant 20 : i32
    %dma_start3A_255 = arith.constant 20 : i32
    %dma_start3A_256 = arith.constant 0 : i32
    %dma_start3A_257 = tpu.memref_slice %arg7[%dma_start3A_254, %dma_start3A_256] : memref<26x128xf32, #tpu.memory_space<vmem>> -> memref<1x128xf32, #tpu.memory_space<vmem>>
    %dma_start3A_258 = tpu.memref_squeeze %dma_start3A_257 : memref<1x128xf32, #tpu.memory_space<vmem>> -> memref<128xf32, #tpu.memory_space<vmem>>
    %dma_start3A_259 = arith.constant 0 : i32
    %dma_start3A_260 = tpu.memref_slice %arg6[%dma_start3A_255, %dma_start3A_259] : memref<26x128xi32, #tpu.memory_space<vmem>> -> memref<1x128xi32, #tpu.memory_space<vmem>>
    %dma_start3A_261 = tpu.memref_squeeze %dma_start3A_260 : memref<1x128xi32, #tpu.memory_space<vmem>> -> memref<128xi32, #tpu.memory_space<vmem>>
    %dma_start3A_262 = arith.constant 0 : i32
    %dma_start3A_263 = tpu.memref_slice %arg4[%dma_start3A_262] : memref<18874368xf32, #tpu.memory_space<hbm>> -> memref<18874368xf32, #tpu.memory_space<hbm>>
    tpu.enqueue_indirect_dma source(%dma_start3A_258 : memref<128xf32, #tpu.memory_space<vmem>>) target(%dma_start3A_263 : memref<18874368xf32, #tpu.memory_space<hbm>>) offsets(%dma_start3A_261 : memref<128xi32, #tpu.memory_space<vmem>>) semaphore(%arg8 : memref<!tpu.dma_semaphore, #tpu.memory_space<semaphore_mem>>)
    %dma_start3A_264 = arith.constant 21 : i32
    %dma_start3A_265 = arith.constant 21 : i32
    %dma_start3A_266 = arith.constant 0 : i32
    %dma_start3A_267 = tpu.memref_slice %arg7[%dma_start3A_264, %dma_start3A_266] : memref<26x128xf32, #tpu.memory_space<vmem>> -> memref<1x128xf32, #tpu.memory_space<vmem>>
    %dma_start3A_268 = tpu.memref_squeeze %dma_start3A_267 : memref<1x128xf32, #tpu.memory_space<vmem>> -> memref<128xf32, #tpu.memory_space<vmem>>
    %dma_start3A_269 = arith.constant 0 : i32
    %dma_start3A_270 = tpu.memref_slice %arg6[%dma_start3A_265, %dma_start3A_269] : memref<26x128xi32, #tpu.memory_space<vmem>> -> memref<1x128xi32, #tpu.memory_space<vmem>>
    %dma_start3A_271 = tpu.memref_squeeze %dma_start3A_270 : memref<1x128xi32, #tpu.memory_space<vmem>> -> memref<128xi32, #tpu.memory_space<vmem>>
    %dma_start3A_272 = arith.constant 0 : i32
    %dma_start3A_273 = tpu.memref_slice %arg4[%dma_start3A_272] : memref<18874368xf32, #tpu.memory_space<hbm>> -> memref<18874368xf32, #tpu.memory_space<hbm>>
    tpu.enqueue_indirect_dma source(%dma_start3A_268 : memref<128xf32, #tpu.memory_space<vmem>>) target(%dma_start3A_273 : memref<18874368xf32, #tpu.memory_space<hbm>>) offsets(%dma_start3A_271 : memref<128xi32, #tpu.memory_space<vmem>>) semaphore(%arg8 : memref<!tpu.dma_semaphore, #tpu.memory_space<semaphore_mem>>)
    %dma_start3A_274 = arith.constant 22 : i32
    %dma_start3A_275 = arith.constant 22 : i32
    %dma_start3A_276 = arith.constant 0 : i32
    %dma_start3A_277 = tpu.memref_slice %arg7[%dma_start3A_274, %dma_start3A_276] : memref<26x128xf32, #tpu.memory_space<vmem>> -> memref<1x128xf32, #tpu.memory_space<vmem>>
    %dma_start3A_278 = tpu.memref_squeeze %dma_start3A_277 : memref<1x128xf32, #tpu.memory_space<vmem>> -> memref<128xf32, #tpu.memory_space<vmem>>
    %dma_start3A_279 = arith.constant 0 : i32
    %dma_start3A_280 = tpu.memref_slice %arg6[%dma_start3A_275, %dma_start3A_279] : memref<26x128xi32, #tpu.memory_space<vmem>> -> memref<1x128xi32, #tpu.memory_space<vmem>>
    %dma_start3A_281 = tpu.memref_squeeze %dma_start3A_280 : memref<1x128xi32, #tpu.memory_space<vmem>> -> memref<128xi32, #tpu.memory_space<vmem>>
    %dma_start3A_282 = arith.constant 0 : i32
    %dma_start3A_283 = tpu.memref_slice %arg4[%dma_start3A_282] : memref<18874368xf32, #tpu.memory_space<hbm>> -> memref<18874368xf32, #tpu.memory_space<hbm>>
    tpu.enqueue_indirect_dma source(%dma_start3A_278 : memref<128xf32, #tpu.memory_space<vmem>>) target(%dma_start3A_283 : memref<18874368xf32, #tpu.memory_space<hbm>>) offsets(%dma_start3A_281 : memref<128xi32, #tpu.memory_space<vmem>>) semaphore(%arg8 : memref<!tpu.dma_semaphore, #tpu.memory_space<semaphore_mem>>)
    %dma_start3A_284 = arith.constant 23 : i32
    %dma_start3A_285 = arith.constant 23 : i32
    %dma_start3A_286 = arith.constant 0 : i32
    %dma_start3A_287 = tpu.memref_slice %arg7[%dma_start3A_284, %dma_start3A_286] : memref<26x128xf32, #tpu.memory_space<vmem>> -> memref<1x128xf32, #tpu.memory_space<vmem>>
    %dma_start3A_288 = tpu.memref_squeeze %dma_start3A_287 : memref<1x128xf32, #tpu.memory_space<vmem>> -> memref<128xf32, #tpu.memory_space<vmem>>
    %dma_start3A_289 = arith.constant 0 : i32
    %dma_start3A_290 = tpu.memref_slice %arg6[%dma_start3A_285, %dma_start3A_289] : memref<26x128xi32, #tpu.memory_space<vmem>> -> memref<1x128xi32, #tpu.memory_space<vmem>>
    %dma_start3A_291 = tpu.memref_squeeze %dma_start3A_290 : memref<1x128xi32, #tpu.memory_space<vmem>> -> memref<128xi32, #tpu.memory_space<vmem>>
    %dma_start3A_292 = arith.constant 0 : i32
    %dma_start3A_293 = tpu.memref_slice %arg4[%dma_start3A_292] : memref<18874368xf32, #tpu.memory_space<hbm>> -> memref<18874368xf32, #tpu.memory_space<hbm>>
    tpu.enqueue_indirect_dma source(%dma_start3A_288 : memref<128xf32, #tpu.memory_space<vmem>>) target(%dma_start3A_293 : memref<18874368xf32, #tpu.memory_space<hbm>>) offsets(%dma_start3A_291 : memref<128xi32, #tpu.memory_space<vmem>>) semaphore(%arg8 : memref<!tpu.dma_semaphore, #tpu.memory_space<semaphore_mem>>)
    %dma_start3A_294 = arith.constant 24 : i32
    %dma_start3A_295 = arith.constant 24 : i32
    %dma_start3A_296 = arith.constant 0 : i32
    %dma_start3A_297 = tpu.memref_slice %arg7[%dma_start3A_294, %dma_start3A_296] : memref<26x128xf32, #tpu.memory_space<vmem>> -> memref<1x128xf32, #tpu.memory_space<vmem>>
    %dma_start3A_298 = tpu.memref_squeeze %dma_start3A_297 : memref<1x128xf32, #tpu.memory_space<vmem>> -> memref<128xf32, #tpu.memory_space<vmem>>
    %dma_start3A_299 = arith.constant 0 : i32
    %dma_start3A_300 = tpu.memref_slice %arg6[%dma_start3A_295, %dma_start3A_299] : memref<26x128xi32, #tpu.memory_space<vmem>> -> memref<1x128xi32, #tpu.memory_space<vmem>>
    %dma_start3A_301 = tpu.memref_squeeze %dma_start3A_300 : memref<1x128xi32, #tpu.memory_space<vmem>> -> memref<128xi32, #tpu.memory_space<vmem>>
    %dma_start3A_302 = arith.constant 0 : i32
    %dma_start3A_303 = tpu.memref_slice %arg4[%dma_start3A_302] : memref<18874368xf32, #tpu.memory_space<hbm>> -> memref<18874368xf32, #tpu.memory_space<hbm>>
    tpu.enqueue_indirect_dma source(%dma_start3A_298 : memref<128xf32, #tpu.memory_space<vmem>>) target(%dma_start3A_303 : memref<18874368xf32, #tpu.memory_space<hbm>>) offsets(%dma_start3A_301 : memref<128xi32, #tpu.memory_space<vmem>>) semaphore(%arg8 : memref<!tpu.dma_semaphore, #tpu.memory_space<semaphore_mem>>)
    %dma_start3A_304 = arith.constant 25 : i32
    %dma_start3A_305 = arith.constant 25 : i32
    %dma_start3A_306 = arith.constant 0 : i32
    %dma_start3A_307 = tpu.memref_slice %arg7[%dma_start3A_304, %dma_start3A_306] : memref<26x128xf32, #tpu.memory_space<vmem>> -> memref<1x128xf32, #tpu.memory_space<vmem>>
    %dma_start3A_308 = tpu.memref_squeeze %dma_start3A_307 : memref<1x128xf32, #tpu.memory_space<vmem>> -> memref<128xf32, #tpu.memory_space<vmem>>
    %dma_start3A_309 = arith.constant 0 : i32
    %dma_start3A_310 = tpu.memref_slice %arg6[%dma_start3A_305, %dma_start3A_309] : memref<26x128xi32, #tpu.memory_space<vmem>> -> memref<1x128xi32, #tpu.memory_space<vmem>>
    %dma_start3A_311 = tpu.memref_squeeze %dma_start3A_310 : memref<1x128xi32, #tpu.memory_space<vmem>> -> memref<128xi32, #tpu.memory_space<vmem>>
    %dma_start3A_312 = arith.constant 0 : i32
    %dma_start3A_313 = tpu.memref_slice %arg4[%dma_start3A_312] : memref<18874368xf32, #tpu.memory_space<hbm>> -> memref<18874368xf32, #tpu.memory_space<hbm>>
    tpu.enqueue_indirect_dma source(%dma_start3A_308 : memref<128xf32, #tpu.memory_space<vmem>>) target(%dma_start3A_313 : memref<18874368xf32, #tpu.memory_space<hbm>>) offsets(%dma_start3A_311 : memref<128xi32, #tpu.memory_space<vmem>>) semaphore(%arg8 : memref<!tpu.dma_semaphore, #tpu.memory_space<semaphore_mem>>)
    %dma_wait3A_314 = arith.constant 0 : i32
    %dma_wait3A_315 = arith.constant 0 : i32
    %dma_wait3A_316 = arith.constant 0 : i32
    %dma_wait3A_317 = tpu.memref_slice %arg7[%dma_wait3A_314, %dma_wait3A_316] : memref<26x128xf32, #tpu.memory_space<vmem>> -> memref<1x128xf32, #tpu.memory_space<vmem>>
    %dma_wait3A_318 = tpu.memref_squeeze %dma_wait3A_317 : memref<1x128xf32, #tpu.memory_space<vmem>> -> memref<128xf32, #tpu.memory_space<vmem>>
    %dma_wait3A_319 = arith.constant 0 : i32
    %dma_wait3A_320 = tpu.memref_slice %arg6[%dma_wait3A_315, %dma_wait3A_319] : memref<26x128xi32, #tpu.memory_space<vmem>> -> memref<1x128xi32, #tpu.memory_space<vmem>>
    %dma_wait3A_321 = tpu.memref_squeeze %dma_wait3A_320 : memref<1x128xi32, #tpu.memory_space<vmem>> -> memref<128xi32, #tpu.memory_space<vmem>>
    %dma_wait3A_322 = arith.constant 0 : i32
    %dma_wait3A_323 = tpu.memref_slice %arg4[%dma_wait3A_322] : memref<18874368xf32, #tpu.memory_space<hbm>> -> memref<18874368xf32, #tpu.memory_space<hbm>>
    tpu.wait_indirect_dma semaphore(%arg8 : memref<!tpu.dma_semaphore, #tpu.memory_space<semaphore_mem>>) src(%dma_wait3A_318 : memref<128xf32, #tpu.memory_space<vmem>>) dst(%dma_wait3A_323 : memref<18874368xf32, #tpu.memory_space<hbm>>)
    %dma_wait3A_324 = arith.constant 1 : i32
    %dma_wait3A_325 = arith.constant 1 : i32
    %dma_wait3A_326 = arith.constant 0 : i32
    %dma_wait3A_327 = tpu.memref_slice %arg7[%dma_wait3A_324, %dma_wait3A_326] : memref<26x128xf32, #tpu.memory_space<vmem>> -> memref<1x128xf32, #tpu.memory_space<vmem>>
    %dma_wait3A_328 = tpu.memref_squeeze %dma_wait3A_327 : memref<1x128xf32, #tpu.memory_space<vmem>> -> memref<128xf32, #tpu.memory_space<vmem>>
    %dma_wait3A_329 = arith.constant 0 : i32
    %dma_wait3A_330 = tpu.memref_slice %arg6[%dma_wait3A_325, %dma_wait3A_329] : memref<26x128xi32, #tpu.memory_space<vmem>> -> memref<1x128xi32, #tpu.memory_space<vmem>>
    %dma_wait3A_331 = tpu.memref_squeeze %dma_wait3A_330 : memref<1x128xi32, #tpu.memory_space<vmem>> -> memref<128xi32, #tpu.memory_space<vmem>>
    %dma_wait3A_332 = arith.constant 0 : i32
    %dma_wait3A_333 = tpu.memref_slice %arg4[%dma_wait3A_332] : memref<18874368xf32, #tpu.memory_space<hbm>> -> memref<18874368xf32, #tpu.memory_space<hbm>>
    tpu.wait_indirect_dma semaphore(%arg8 : memref<!tpu.dma_semaphore, #tpu.memory_space<semaphore_mem>>) src(%dma_wait3A_328 : memref<128xf32, #tpu.memory_space<vmem>>) dst(%dma_wait3A_333 : memref<18874368xf32, #tpu.memory_space<hbm>>)
    %dma_wait3A_334 = arith.constant 2 : i32
    %dma_wait3A_335 = arith.constant 2 : i32
    %dma_wait3A_336 = arith.constant 0 : i32
    %dma_wait3A_337 = tpu.memref_slice %arg7[%dma_wait3A_334, %dma_wait3A_336] : memref<26x128xf32, #tpu.memory_space<vmem>> -> memref<1x128xf32, #tpu.memory_space<vmem>>
    %dma_wait3A_338 = tpu.memref_squeeze %dma_wait3A_337 : memref<1x128xf32, #tpu.memory_space<vmem>> -> memref<128xf32, #tpu.memory_space<vmem>>
    %dma_wait3A_339 = arith.constant 0 : i32
    %dma_wait3A_340 = tpu.memref_slice %arg6[%dma_wait3A_335, %dma_wait3A_339] : memref<26x128xi32, #tpu.memory_space<vmem>> -> memref<1x128xi32, #tpu.memory_space<vmem>>
    %dma_wait3A_341 = tpu.memref_squeeze %dma_wait3A_340 : memref<1x128xi32, #tpu.memory_space<vmem>> -> memref<128xi32, #tpu.memory_space<vmem>>
    %dma_wait3A_342 = arith.constant 0 : i32
    %dma_wait3A_343 = tpu.memref_slice %arg4[%dma_wait3A_342] : memref<18874368xf32, #tpu.memory_space<hbm>> -> memref<18874368xf32, #tpu.memory_space<hbm>>
    tpu.wait_indirect_dma semaphore(%arg8 : memref<!tpu.dma_semaphore, #tpu.memory_space<semaphore_mem>>) src(%dma_wait3A_338 : memref<128xf32, #tpu.memory_space<vmem>>) dst(%dma_wait3A_343 : memref<18874368xf32, #tpu.memory_space<hbm>>)
    %dma_wait3A_344 = arith.constant 3 : i32
    %dma_wait3A_345 = arith.constant 3 : i32
    %dma_wait3A_346 = arith.constant 0 : i32
    %dma_wait3A_347 = tpu.memref_slice %arg7[%dma_wait3A_344, %dma_wait3A_346] : memref<26x128xf32, #tpu.memory_space<vmem>> -> memref<1x128xf32, #tpu.memory_space<vmem>>
    %dma_wait3A_348 = tpu.memref_squeeze %dma_wait3A_347 : memref<1x128xf32, #tpu.memory_space<vmem>> -> memref<128xf32, #tpu.memory_space<vmem>>
    %dma_wait3A_349 = arith.constant 0 : i32
    %dma_wait3A_350 = tpu.memref_slice %arg6[%dma_wait3A_345, %dma_wait3A_349] : memref<26x128xi32, #tpu.memory_space<vmem>> -> memref<1x128xi32, #tpu.memory_space<vmem>>
    %dma_wait3A_351 = tpu.memref_squeeze %dma_wait3A_350 : memref<1x128xi32, #tpu.memory_space<vmem>> -> memref<128xi32, #tpu.memory_space<vmem>>
    %dma_wait3A_352 = arith.constant 0 : i32
    %dma_wait3A_353 = tpu.memref_slice %arg4[%dma_wait3A_352] : memref<18874368xf32, #tpu.memory_space<hbm>> -> memref<18874368xf32, #tpu.memory_space<hbm>>
    tpu.wait_indirect_dma semaphore(%arg8 : memref<!tpu.dma_semaphore, #tpu.memory_space<semaphore_mem>>) src(%dma_wait3A_348 : memref<128xf32, #tpu.memory_space<vmem>>) dst(%dma_wait3A_353 : memref<18874368xf32, #tpu.memory_space<hbm>>)
    %dma_wait3A_354 = arith.constant 4 : i32
    %dma_wait3A_355 = arith.constant 4 : i32
    %dma_wait3A_356 = arith.constant 0 : i32
    %dma_wait3A_357 = tpu.memref_slice %arg7[%dma_wait3A_354, %dma_wait3A_356] : memref<26x128xf32, #tpu.memory_space<vmem>> -> memref<1x128xf32, #tpu.memory_space<vmem>>
    %dma_wait3A_358 = tpu.memref_squeeze %dma_wait3A_357 : memref<1x128xf32, #tpu.memory_space<vmem>> -> memref<128xf32, #tpu.memory_space<vmem>>
    %dma_wait3A_359 = arith.constant 0 : i32
    %dma_wait3A_360 = tpu.memref_slice %arg6[%dma_wait3A_355, %dma_wait3A_359] : memref<26x128xi32, #tpu.memory_space<vmem>> -> memref<1x128xi32, #tpu.memory_space<vmem>>
    %dma_wait3A_361 = tpu.memref_squeeze %dma_wait3A_360 : memref<1x128xi32, #tpu.memory_space<vmem>> -> memref<128xi32, #tpu.memory_space<vmem>>
    %dma_wait3A_362 = arith.constant 0 : i32
    %dma_wait3A_363 = tpu.memref_slice %arg4[%dma_wait3A_362] : memref<18874368xf32, #tpu.memory_space<hbm>> -> memref<18874368xf32, #tpu.memory_space<hbm>>
    tpu.wait_indirect_dma semaphore(%arg8 : memref<!tpu.dma_semaphore, #tpu.memory_space<semaphore_mem>>) src(%dma_wait3A_358 : memref<128xf32, #tpu.memory_space<vmem>>) dst(%dma_wait3A_363 : memref<18874368xf32, #tpu.memory_space<hbm>>)
    %dma_wait3A_364 = arith.constant 5 : i32
    %dma_wait3A_365 = arith.constant 5 : i32
    %dma_wait3A_366 = arith.constant 0 : i32
    %dma_wait3A_367 = tpu.memref_slice %arg7[%dma_wait3A_364, %dma_wait3A_366] : memref<26x128xf32, #tpu.memory_space<vmem>> -> memref<1x128xf32, #tpu.memory_space<vmem>>
    %dma_wait3A_368 = tpu.memref_squeeze %dma_wait3A_367 : memref<1x128xf32, #tpu.memory_space<vmem>> -> memref<128xf32, #tpu.memory_space<vmem>>
    %dma_wait3A_369 = arith.constant 0 : i32
    %dma_wait3A_370 = tpu.memref_slice %arg6[%dma_wait3A_365, %dma_wait3A_369] : memref<26x128xi32, #tpu.memory_space<vmem>> -> memref<1x128xi32, #tpu.memory_space<vmem>>
    %dma_wait3A_371 = tpu.memref_squeeze %dma_wait3A_370 : memref<1x128xi32, #tpu.memory_space<vmem>> -> memref<128xi32, #tpu.memory_space<vmem>>
    %dma_wait3A_372 = arith.constant 0 : i32
    %dma_wait3A_373 = tpu.memref_slice %arg4[%dma_wait3A_372] : memref<18874368xf32, #tpu.memory_space<hbm>> -> memref<18874368xf32, #tpu.memory_space<hbm>>
    tpu.wait_indirect_dma semaphore(%arg8 : memref<!tpu.dma_semaphore, #tpu.memory_space<semaphore_mem>>) src(%dma_wait3A_368 : memref<128xf32, #tpu.memory_space<vmem>>) dst(%dma_wait3A_373 : memref<18874368xf32, #tpu.memory_space<hbm>>)
    %dma_wait3A_374 = arith.constant 6 : i32
    %dma_wait3A_375 = arith.constant 6 : i32
    %dma_wait3A_376 = arith.constant 0 : i32
    %dma_wait3A_377 = tpu.memref_slice %arg7[%dma_wait3A_374, %dma_wait3A_376] : memref<26x128xf32, #tpu.memory_space<vmem>> -> memref<1x128xf32, #tpu.memory_space<vmem>>
    %dma_wait3A_378 = tpu.memref_squeeze %dma_wait3A_377 : memref<1x128xf32, #tpu.memory_space<vmem>> -> memref<128xf32, #tpu.memory_space<vmem>>
    %dma_wait3A_379 = arith.constant 0 : i32
    %dma_wait3A_380 = tpu.memref_slice %arg6[%dma_wait3A_375, %dma_wait3A_379] : memref<26x128xi32, #tpu.memory_space<vmem>> -> memref<1x128xi32, #tpu.memory_space<vmem>>
    %dma_wait3A_381 = tpu.memref_squeeze %dma_wait3A_380 : memref<1x128xi32, #tpu.memory_space<vmem>> -> memref<128xi32, #tpu.memory_space<vmem>>
    %dma_wait3A_382 = arith.constant 0 : i32
    %dma_wait3A_383 = tpu.memref_slice %arg4[%dma_wait3A_382] : memref<18874368xf32, #tpu.memory_space<hbm>> -> memref<18874368xf32, #tpu.memory_space<hbm>>
    tpu.wait_indirect_dma semaphore(%arg8 : memref<!tpu.dma_semaphore, #tpu.memory_space<semaphore_mem>>) src(%dma_wait3A_378 : memref<128xf32, #tpu.memory_space<vmem>>) dst(%dma_wait3A_383 : memref<18874368xf32, #tpu.memory_space<hbm>>)
    %dma_wait3A_384 = arith.constant 7 : i32
    %dma_wait3A_385 = arith.constant 7 : i32
    %dma_wait3A_386 = arith.constant 0 : i32
    %dma_wait3A_387 = tpu.memref_slice %arg7[%dma_wait3A_384, %dma_wait3A_386] : memref<26x128xf32, #tpu.memory_space<vmem>> -> memref<1x128xf32, #tpu.memory_space<vmem>>
    %dma_wait3A_388 = tpu.memref_squeeze %dma_wait3A_387 : memref<1x128xf32, #tpu.memory_space<vmem>> -> memref<128xf32, #tpu.memory_space<vmem>>
    %dma_wait3A_389 = arith.constant 0 : i32
    %dma_wait3A_390 = tpu.memref_slice %arg6[%dma_wait3A_385, %dma_wait3A_389] : memref<26x128xi32, #tpu.memory_space<vmem>> -> memref<1x128xi32, #tpu.memory_space<vmem>>
    %dma_wait3A_391 = tpu.memref_squeeze %dma_wait3A_390 : memref<1x128xi32, #tpu.memory_space<vmem>> -> memref<128xi32, #tpu.memory_space<vmem>>
    %dma_wait3A_392 = arith.constant 0 : i32
    %dma_wait3A_393 = tpu.memref_slice %arg4[%dma_wait3A_392] : memref<18874368xf32, #tpu.memory_space<hbm>> -> memref<18874368xf32, #tpu.memory_space<hbm>>
    tpu.wait_indirect_dma semaphore(%arg8 : memref<!tpu.dma_semaphore, #tpu.memory_space<semaphore_mem>>) src(%dma_wait3A_388 : memref<128xf32, #tpu.memory_space<vmem>>) dst(%dma_wait3A_393 : memref<18874368xf32, #tpu.memory_space<hbm>>)
    %dma_wait3A_394 = arith.constant 8 : i32
    %dma_wait3A_395 = arith.constant 8 : i32
    %dma_wait3A_396 = arith.constant 0 : i32
    %dma_wait3A_397 = tpu.memref_slice %arg7[%dma_wait3A_394, %dma_wait3A_396] : memref<26x128xf32, #tpu.memory_space<vmem>> -> memref<1x128xf32, #tpu.memory_space<vmem>>
    %dma_wait3A_398 = tpu.memref_squeeze %dma_wait3A_397 : memref<1x128xf32, #tpu.memory_space<vmem>> -> memref<128xf32, #tpu.memory_space<vmem>>
    %dma_wait3A_399 = arith.constant 0 : i32
    %dma_wait3A_400 = tpu.memref_slice %arg6[%dma_wait3A_395, %dma_wait3A_399] : memref<26x128xi32, #tpu.memory_space<vmem>> -> memref<1x128xi32, #tpu.memory_space<vmem>>
    %dma_wait3A_401 = tpu.memref_squeeze %dma_wait3A_400 : memref<1x128xi32, #tpu.memory_space<vmem>> -> memref<128xi32, #tpu.memory_space<vmem>>
    %dma_wait3A_402 = arith.constant 0 : i32
    %dma_wait3A_403 = tpu.memref_slice %arg4[%dma_wait3A_402] : memref<18874368xf32, #tpu.memory_space<hbm>> -> memref<18874368xf32, #tpu.memory_space<hbm>>
    tpu.wait_indirect_dma semaphore(%arg8 : memref<!tpu.dma_semaphore, #tpu.memory_space<semaphore_mem>>) src(%dma_wait3A_398 : memref<128xf32, #tpu.memory_space<vmem>>) dst(%dma_wait3A_403 : memref<18874368xf32, #tpu.memory_space<hbm>>)
    %dma_wait3A_404 = arith.constant 9 : i32
    %dma_wait3A_405 = arith.constant 9 : i32
    %dma_wait3A_406 = arith.constant 0 : i32
    %dma_wait3A_407 = tpu.memref_slice %arg7[%dma_wait3A_404, %dma_wait3A_406] : memref<26x128xf32, #tpu.memory_space<vmem>> -> memref<1x128xf32, #tpu.memory_space<vmem>>
    %dma_wait3A_408 = tpu.memref_squeeze %dma_wait3A_407 : memref<1x128xf32, #tpu.memory_space<vmem>> -> memref<128xf32, #tpu.memory_space<vmem>>
    %dma_wait3A_409 = arith.constant 0 : i32
    %dma_wait3A_410 = tpu.memref_slice %arg6[%dma_wait3A_405, %dma_wait3A_409] : memref<26x128xi32, #tpu.memory_space<vmem>> -> memref<1x128xi32, #tpu.memory_space<vmem>>
    %dma_wait3A_411 = tpu.memref_squeeze %dma_wait3A_410 : memref<1x128xi32, #tpu.memory_space<vmem>> -> memref<128xi32, #tpu.memory_space<vmem>>
    %dma_wait3A_412 = arith.constant 0 : i32
    %dma_wait3A_413 = tpu.memref_slice %arg4[%dma_wait3A_412] : memref<18874368xf32, #tpu.memory_space<hbm>> -> memref<18874368xf32, #tpu.memory_space<hbm>>
    tpu.wait_indirect_dma semaphore(%arg8 : memref<!tpu.dma_semaphore, #tpu.memory_space<semaphore_mem>>) src(%dma_wait3A_408 : memref<128xf32, #tpu.memory_space<vmem>>) dst(%dma_wait3A_413 : memref<18874368xf32, #tpu.memory_space<hbm>>)
    %dma_wait3A_414 = arith.constant 10 : i32
    %dma_wait3A_415 = arith.constant 10 : i32
    %dma_wait3A_416 = arith.constant 0 : i32
    %dma_wait3A_417 = tpu.memref_slice %arg7[%dma_wait3A_414, %dma_wait3A_416] : memref<26x128xf32, #tpu.memory_space<vmem>> -> memref<1x128xf32, #tpu.memory_space<vmem>>
    %dma_wait3A_418 = tpu.memref_squeeze %dma_wait3A_417 : memref<1x128xf32, #tpu.memory_space<vmem>> -> memref<128xf32, #tpu.memory_space<vmem>>
    %dma_wait3A_419 = arith.constant 0 : i32
    %dma_wait3A_420 = tpu.memref_slice %arg6[%dma_wait3A_415, %dma_wait3A_419] : memref<26x128xi32, #tpu.memory_space<vmem>> -> memref<1x128xi32, #tpu.memory_space<vmem>>
    %dma_wait3A_421 = tpu.memref_squeeze %dma_wait3A_420 : memref<1x128xi32, #tpu.memory_space<vmem>> -> memref<128xi32, #tpu.memory_space<vmem>>
    %dma_wait3A_422 = arith.constant 0 : i32
    %dma_wait3A_423 = tpu.memref_slice %arg4[%dma_wait3A_422] : memref<18874368xf32, #tpu.memory_space<hbm>> -> memref<18874368xf32, #tpu.memory_space<hbm>>
    tpu.wait_indirect_dma semaphore(%arg8 : memref<!tpu.dma_semaphore, #tpu.memory_space<semaphore_mem>>) src(%dma_wait3A_418 : memref<128xf32, #tpu.memory_space<vmem>>) dst(%dma_wait3A_423 : memref<18874368xf32, #tpu.memory_space<hbm>>)
    %dma_wait3A_424 = arith.constant 11 : i32
    %dma_wait3A_425 = arith.constant 11 : i32
    %dma_wait3A_426 = arith.constant 0 : i32
    %dma_wait3A_427 = tpu.memref_slice %arg7[%dma_wait3A_424, %dma_wait3A_426] : memref<26x128xf32, #tpu.memory_space<vmem>> -> memref<1x128xf32, #tpu.memory_space<vmem>>
    %dma_wait3A_428 = tpu.memref_squeeze %dma_wait3A_427 : memref<1x128xf32, #tpu.memory_space<vmem>> -> memref<128xf32, #tpu.memory_space<vmem>>
    %dma_wait3A_429 = arith.constant 0 : i32
    %dma_wait3A_430 = tpu.memref_slice %arg6[%dma_wait3A_425, %dma_wait3A_429] : memref<26x128xi32, #tpu.memory_space<vmem>> -> memref<1x128xi32, #tpu.memory_space<vmem>>
    %dma_wait3A_431 = tpu.memref_squeeze %dma_wait3A_430 : memref<1x128xi32, #tpu.memory_space<vmem>> -> memref<128xi32, #tpu.memory_space<vmem>>
    %dma_wait3A_432 = arith.constant 0 : i32
    %dma_wait3A_433 = tpu.memref_slice %arg4[%dma_wait3A_432] : memref<18874368xf32, #tpu.memory_space<hbm>> -> memref<18874368xf32, #tpu.memory_space<hbm>>
    tpu.wait_indirect_dma semaphore(%arg8 : memref<!tpu.dma_semaphore, #tpu.memory_space<semaphore_mem>>) src(%dma_wait3A_428 : memref<128xf32, #tpu.memory_space<vmem>>) dst(%dma_wait3A_433 : memref<18874368xf32, #tpu.memory_space<hbm>>)
    %dma_wait3A_434 = arith.constant 12 : i32
    %dma_wait3A_435 = arith.constant 12 : i32
    %dma_wait3A_436 = arith.constant 0 : i32
    %dma_wait3A_437 = tpu.memref_slice %arg7[%dma_wait3A_434, %dma_wait3A_436] : memref<26x128xf32, #tpu.memory_space<vmem>> -> memref<1x128xf32, #tpu.memory_space<vmem>>
    %dma_wait3A_438 = tpu.memref_squeeze %dma_wait3A_437 : memref<1x128xf32, #tpu.memory_space<vmem>> -> memref<128xf32, #tpu.memory_space<vmem>>
    %dma_wait3A_439 = arith.constant 0 : i32
    %dma_wait3A_440 = tpu.memref_slice %arg6[%dma_wait3A_435, %dma_wait3A_439] : memref<26x128xi32, #tpu.memory_space<vmem>> -> memref<1x128xi32, #tpu.memory_space<vmem>>
    %dma_wait3A_441 = tpu.memref_squeeze %dma_wait3A_440 : memref<1x128xi32, #tpu.memory_space<vmem>> -> memref<128xi32, #tpu.memory_space<vmem>>
    %dma_wait3A_442 = arith.constant 0 : i32
    %dma_wait3A_443 = tpu.memref_slice %arg4[%dma_wait3A_442] : memref<18874368xf32, #tpu.memory_space<hbm>> -> memref<18874368xf32, #tpu.memory_space<hbm>>
    tpu.wait_indirect_dma semaphore(%arg8 : memref<!tpu.dma_semaphore, #tpu.memory_space<semaphore_mem>>) src(%dma_wait3A_438 : memref<128xf32, #tpu.memory_space<vmem>>) dst(%dma_wait3A_443 : memref<18874368xf32, #tpu.memory_space<hbm>>)
    %dma_wait3A_444 = arith.constant 13 : i32
    %dma_wait3A_445 = arith.constant 13 : i32
    %dma_wait3A_446 = arith.constant 0 : i32
    %dma_wait3A_447 = tpu.memref_slice %arg7[%dma_wait3A_444, %dma_wait3A_446] : memref<26x128xf32, #tpu.memory_space<vmem>> -> memref<1x128xf32, #tpu.memory_space<vmem>>
    %dma_wait3A_448 = tpu.memref_squeeze %dma_wait3A_447 : memref<1x128xf32, #tpu.memory_space<vmem>> -> memref<128xf32, #tpu.memory_space<vmem>>
    %dma_wait3A_449 = arith.constant 0 : i32
    %dma_wait3A_450 = tpu.memref_slice %arg6[%dma_wait3A_445, %dma_wait3A_449] : memref<26x128xi32, #tpu.memory_space<vmem>> -> memref<1x128xi32, #tpu.memory_space<vmem>>
    %dma_wait3A_451 = tpu.memref_squeeze %dma_wait3A_450 : memref<1x128xi32, #tpu.memory_space<vmem>> -> memref<128xi32, #tpu.memory_space<vmem>>
    %dma_wait3A_452 = arith.constant 0 : i32
    %dma_wait3A_453 = tpu.memref_slice %arg4[%dma_wait3A_452] : memref<18874368xf32, #tpu.memory_space<hbm>> -> memref<18874368xf32, #tpu.memory_space<hbm>>
    tpu.wait_indirect_dma semaphore(%arg8 : memref<!tpu.dma_semaphore, #tpu.memory_space<semaphore_mem>>) src(%dma_wait3A_448 : memref<128xf32, #tpu.memory_space<vmem>>) dst(%dma_wait3A_453 : memref<18874368xf32, #tpu.memory_space<hbm>>)
    %dma_wait3A_454 = arith.constant 14 : i32
    %dma_wait3A_455 = arith.constant 14 : i32
    %dma_wait3A_456 = arith.constant 0 : i32
    %dma_wait3A_457 = tpu.memref_slice %arg7[%dma_wait3A_454, %dma_wait3A_456] : memref<26x128xf32, #tpu.memory_space<vmem>> -> memref<1x128xf32, #tpu.memory_space<vmem>>
    %dma_wait3A_458 = tpu.memref_squeeze %dma_wait3A_457 : memref<1x128xf32, #tpu.memory_space<vmem>> -> memref<128xf32, #tpu.memory_space<vmem>>
    %dma_wait3A_459 = arith.constant 0 : i32
    %dma_wait3A_460 = tpu.memref_slice %arg6[%dma_wait3A_455, %dma_wait3A_459] : memref<26x128xi32, #tpu.memory_space<vmem>> -> memref<1x128xi32, #tpu.memory_space<vmem>>
    %dma_wait3A_461 = tpu.memref_squeeze %dma_wait3A_460 : memref<1x128xi32, #tpu.memory_space<vmem>> -> memref<128xi32, #tpu.memory_space<vmem>>
    %dma_wait3A_462 = arith.constant 0 : i32
    %dma_wait3A_463 = tpu.memref_slice %arg4[%dma_wait3A_462] : memref<18874368xf32, #tpu.memory_space<hbm>> -> memref<18874368xf32, #tpu.memory_space<hbm>>
    tpu.wait_indirect_dma semaphore(%arg8 : memref<!tpu.dma_semaphore, #tpu.memory_space<semaphore_mem>>) src(%dma_wait3A_458 : memref<128xf32, #tpu.memory_space<vmem>>) dst(%dma_wait3A_463 : memref<18874368xf32, #tpu.memory_space<hbm>>)
    %dma_wait3A_464 = arith.constant 15 : i32
    %dma_wait3A_465 = arith.constant 15 : i32
    %dma_wait3A_466 = arith.constant 0 : i32
    %dma_wait3A_467 = tpu.memref_slice %arg7[%dma_wait3A_464, %dma_wait3A_466] : memref<26x128xf32, #tpu.memory_space<vmem>> -> memref<1x128xf32, #tpu.memory_space<vmem>>
    %dma_wait3A_468 = tpu.memref_squeeze %dma_wait3A_467 : memref<1x128xf32, #tpu.memory_space<vmem>> -> memref<128xf32, #tpu.memory_space<vmem>>
    %dma_wait3A_469 = arith.constant 0 : i32
    %dma_wait3A_470 = tpu.memref_slice %arg6[%dma_wait3A_465, %dma_wait3A_469] : memref<26x128xi32, #tpu.memory_space<vmem>> -> memref<1x128xi32, #tpu.memory_space<vmem>>
    %dma_wait3A_471 = tpu.memref_squeeze %dma_wait3A_470 : memref<1x128xi32, #tpu.memory_space<vmem>> -> memref<128xi32, #tpu.memory_space<vmem>>
    %dma_wait3A_472 = arith.constant 0 : i32
    %dma_wait3A_473 = tpu.memref_slice %arg4[%dma_wait3A_472] : memref<18874368xf32, #tpu.memory_space<hbm>> -> memref<18874368xf32, #tpu.memory_space<hbm>>
    tpu.wait_indirect_dma semaphore(%arg8 : memref<!tpu.dma_semaphore, #tpu.memory_space<semaphore_mem>>) src(%dma_wait3A_468 : memref<128xf32, #tpu.memory_space<vmem>>) dst(%dma_wait3A_473 : memref<18874368xf32, #tpu.memory_space<hbm>>)
    %dma_wait3A_474 = arith.constant 16 : i32
    %dma_wait3A_475 = arith.constant 16 : i32
    %dma_wait3A_476 = arith.constant 0 : i32
    %dma_wait3A_477 = tpu.memref_slice %arg7[%dma_wait3A_474, %dma_wait3A_476] : memref<26x128xf32, #tpu.memory_space<vmem>> -> memref<1x128xf32, #tpu.memory_space<vmem>>
    %dma_wait3A_478 = tpu.memref_squeeze %dma_wait3A_477 : memref<1x128xf32, #tpu.memory_space<vmem>> -> memref<128xf32, #tpu.memory_space<vmem>>
    %dma_wait3A_479 = arith.constant 0 : i32
    %dma_wait3A_480 = tpu.memref_slice %arg6[%dma_wait3A_475, %dma_wait3A_479] : memref<26x128xi32, #tpu.memory_space<vmem>> -> memref<1x128xi32, #tpu.memory_space<vmem>>
    %dma_wait3A_481 = tpu.memref_squeeze %dma_wait3A_480 : memref<1x128xi32, #tpu.memory_space<vmem>> -> memref<128xi32, #tpu.memory_space<vmem>>
    %dma_wait3A_482 = arith.constant 0 : i32
    %dma_wait3A_483 = tpu.memref_slice %arg4[%dma_wait3A_482] : memref<18874368xf32, #tpu.memory_space<hbm>> -> memref<18874368xf32, #tpu.memory_space<hbm>>
    tpu.wait_indirect_dma semaphore(%arg8 : memref<!tpu.dma_semaphore, #tpu.memory_space<semaphore_mem>>) src(%dma_wait3A_478 : memref<128xf32, #tpu.memory_space<vmem>>) dst(%dma_wait3A_483 : memref<18874368xf32, #tpu.memory_space<hbm>>)
    %dma_wait3A_484 = arith.constant 17 : i32
    %dma_wait3A_485 = arith.constant 17 : i32
    %dma_wait3A_486 = arith.constant 0 : i32
    %dma_wait3A_487 = tpu.memref_slice %arg7[%dma_wait3A_484, %dma_wait3A_486] : memref<26x128xf32, #tpu.memory_space<vmem>> -> memref<1x128xf32, #tpu.memory_space<vmem>>
    %dma_wait3A_488 = tpu.memref_squeeze %dma_wait3A_487 : memref<1x128xf32, #tpu.memory_space<vmem>> -> memref<128xf32, #tpu.memory_space<vmem>>
    %dma_wait3A_489 = arith.constant 0 : i32
    %dma_wait3A_490 = tpu.memref_slice %arg6[%dma_wait3A_485, %dma_wait3A_489] : memref<26x128xi32, #tpu.memory_space<vmem>> -> memref<1x128xi32, #tpu.memory_space<vmem>>
    %dma_wait3A_491 = tpu.memref_squeeze %dma_wait3A_490 : memref<1x128xi32, #tpu.memory_space<vmem>> -> memref<128xi32, #tpu.memory_space<vmem>>
    %dma_wait3A_492 = arith.constant 0 : i32
    %dma_wait3A_493 = tpu.memref_slice %arg4[%dma_wait3A_492] : memref<18874368xf32, #tpu.memory_space<hbm>> -> memref<18874368xf32, #tpu.memory_space<hbm>>
    tpu.wait_indirect_dma semaphore(%arg8 : memref<!tpu.dma_semaphore, #tpu.memory_space<semaphore_mem>>) src(%dma_wait3A_488 : memref<128xf32, #tpu.memory_space<vmem>>) dst(%dma_wait3A_493 : memref<18874368xf32, #tpu.memory_space<hbm>>)
    %dma_wait3A_494 = arith.constant 18 : i32
    %dma_wait3A_495 = arith.constant 18 : i32
    %dma_wait3A_496 = arith.constant 0 : i32
    %dma_wait3A_497 = tpu.memref_slice %arg7[%dma_wait3A_494, %dma_wait3A_496] : memref<26x128xf32, #tpu.memory_space<vmem>> -> memref<1x128xf32, #tpu.memory_space<vmem>>
    %dma_wait3A_498 = tpu.memref_squeeze %dma_wait3A_497 : memref<1x128xf32, #tpu.memory_space<vmem>> -> memref<128xf32, #tpu.memory_space<vmem>>
    %dma_wait3A_499 = arith.constant 0 : i32
    %dma_wait3A_500 = tpu.memref_slice %arg6[%dma_wait3A_495, %dma_wait3A_499] : memref<26x128xi32, #tpu.memory_space<vmem>> -> memref<1x128xi32, #tpu.memory_space<vmem>>
    %dma_wait3A_501 = tpu.memref_squeeze %dma_wait3A_500 : memref<1x128xi32, #tpu.memory_space<vmem>> -> memref<128xi32, #tpu.memory_space<vmem>>
    %dma_wait3A_502 = arith.constant 0 : i32
    %dma_wait3A_503 = tpu.memref_slice %arg4[%dma_wait3A_502] : memref<18874368xf32, #tpu.memory_space<hbm>> -> memref<18874368xf32, #tpu.memory_space<hbm>>
    tpu.wait_indirect_dma semaphore(%arg8 : memref<!tpu.dma_semaphore, #tpu.memory_space<semaphore_mem>>) src(%dma_wait3A_498 : memref<128xf32, #tpu.memory_space<vmem>>) dst(%dma_wait3A_503 : memref<18874368xf32, #tpu.memory_space<hbm>>)
    %dma_wait3A_504 = arith.constant 19 : i32
    %dma_wait3A_505 = arith.constant 19 : i32
    %dma_wait3A_506 = arith.constant 0 : i32
    %dma_wait3A_507 = tpu.memref_slice %arg7[%dma_wait3A_504, %dma_wait3A_506] : memref<26x128xf32, #tpu.memory_space<vmem>> -> memref<1x128xf32, #tpu.memory_space<vmem>>
    %dma_wait3A_508 = tpu.memref_squeeze %dma_wait3A_507 : memref<1x128xf32, #tpu.memory_space<vmem>> -> memref<128xf32, #tpu.memory_space<vmem>>
    %dma_wait3A_509 = arith.constant 0 : i32
    %dma_wait3A_510 = tpu.memref_slice %arg6[%dma_wait3A_505, %dma_wait3A_509] : memref<26x128xi32, #tpu.memory_space<vmem>> -> memref<1x128xi32, #tpu.memory_space<vmem>>
    %dma_wait3A_511 = tpu.memref_squeeze %dma_wait3A_510 : memref<1x128xi32, #tpu.memory_space<vmem>> -> memref<128xi32, #tpu.memory_space<vmem>>
    %dma_wait3A_512 = arith.constant 0 : i32
    %dma_wait3A_513 = tpu.memref_slice %arg4[%dma_wait3A_512] : memref<18874368xf32, #tpu.memory_space<hbm>> -> memref<18874368xf32, #tpu.memory_space<hbm>>
    tpu.wait_indirect_dma semaphore(%arg8 : memref<!tpu.dma_semaphore, #tpu.memory_space<semaphore_mem>>) src(%dma_wait3A_508 : memref<128xf32, #tpu.memory_space<vmem>>) dst(%dma_wait3A_513 : memref<18874368xf32, #tpu.memory_space<hbm>>)
    %dma_wait3A_514 = arith.constant 20 : i32
    %dma_wait3A_515 = arith.constant 20 : i32
    %dma_wait3A_516 = arith.constant 0 : i32
    %dma_wait3A_517 = tpu.memref_slice %arg7[%dma_wait3A_514, %dma_wait3A_516] : memref<26x128xf32, #tpu.memory_space<vmem>> -> memref<1x128xf32, #tpu.memory_space<vmem>>
    %dma_wait3A_518 = tpu.memref_squeeze %dma_wait3A_517 : memref<1x128xf32, #tpu.memory_space<vmem>> -> memref<128xf32, #tpu.memory_space<vmem>>
    %dma_wait3A_519 = arith.constant 0 : i32
    %dma_wait3A_520 = tpu.memref_slice %arg6[%dma_wait3A_515, %dma_wait3A_519] : memref<26x128xi32, #tpu.memory_space<vmem>> -> memref<1x128xi32, #tpu.memory_space<vmem>>
    %dma_wait3A_521 = tpu.memref_squeeze %dma_wait3A_520 : memref<1x128xi32, #tpu.memory_space<vmem>> -> memref<128xi32, #tpu.memory_space<vmem>>
    %dma_wait3A_522 = arith.constant 0 : i32
    %dma_wait3A_523 = tpu.memref_slice %arg4[%dma_wait3A_522] : memref<18874368xf32, #tpu.memory_space<hbm>> -> memref<18874368xf32, #tpu.memory_space<hbm>>
    tpu.wait_indirect_dma semaphore(%arg8 : memref<!tpu.dma_semaphore, #tpu.memory_space<semaphore_mem>>) src(%dma_wait3A_518 : memref<128xf32, #tpu.memory_space<vmem>>) dst(%dma_wait3A_523 : memref<18874368xf32, #tpu.memory_space<hbm>>)
    %dma_wait3A_524 = arith.constant 21 : i32
    %dma_wait3A_525 = arith.constant 21 : i32
    %dma_wait3A_526 = arith.constant 0 : i32
    %dma_wait3A_527 = tpu.memref_slice %arg7[%dma_wait3A_524, %dma_wait3A_526] : memref<26x128xf32, #tpu.memory_space<vmem>> -> memref<1x128xf32, #tpu.memory_space<vmem>>
    %dma_wait3A_528 = tpu.memref_squeeze %dma_wait3A_527 : memref<1x128xf32, #tpu.memory_space<vmem>> -> memref<128xf32, #tpu.memory_space<vmem>>
    %dma_wait3A_529 = arith.constant 0 : i32
    %dma_wait3A_530 = tpu.memref_slice %arg6[%dma_wait3A_525, %dma_wait3A_529] : memref<26x128xi32, #tpu.memory_space<vmem>> -> memref<1x128xi32, #tpu.memory_space<vmem>>
    %dma_wait3A_531 = tpu.memref_squeeze %dma_wait3A_530 : memref<1x128xi32, #tpu.memory_space<vmem>> -> memref<128xi32, #tpu.memory_space<vmem>>
    %dma_wait3A_532 = arith.constant 0 : i32
    %dma_wait3A_533 = tpu.memref_slice %arg4[%dma_wait3A_532] : memref<18874368xf32, #tpu.memory_space<hbm>> -> memref<18874368xf32, #tpu.memory_space<hbm>>
    tpu.wait_indirect_dma semaphore(%arg8 : memref<!tpu.dma_semaphore, #tpu.memory_space<semaphore_mem>>) src(%dma_wait3A_528 : memref<128xf32, #tpu.memory_space<vmem>>) dst(%dma_wait3A_533 : memref<18874368xf32, #tpu.memory_space<hbm>>)
    %dma_wait3A_534 = arith.constant 22 : i32
    %dma_wait3A_535 = arith.constant 22 : i32
    %dma_wait3A_536 = arith.constant 0 : i32
    %dma_wait3A_537 = tpu.memref_slice %arg7[%dma_wait3A_534, %dma_wait3A_536] : memref<26x128xf32, #tpu.memory_space<vmem>> -> memref<1x128xf32, #tpu.memory_space<vmem>>
    %dma_wait3A_538 = tpu.memref_squeeze %dma_wait3A_537 : memref<1x128xf32, #tpu.memory_space<vmem>> -> memref<128xf32, #tpu.memory_space<vmem>>
    %dma_wait3A_539 = arith.constant 0 : i32
    %dma_wait3A_540 = tpu.memref_slice %arg6[%dma_wait3A_535, %dma_wait3A_539] : memref<26x128xi32, #tpu.memory_space<vmem>> -> memref<1x128xi32, #tpu.memory_space<vmem>>
    %dma_wait3A_541 = tpu.memref_squeeze %dma_wait3A_540 : memref<1x128xi32, #tpu.memory_space<vmem>> -> memref<128xi32, #tpu.memory_space<vmem>>
    %dma_wait3A_542 = arith.constant 0 : i32
    %dma_wait3A_543 = tpu.memref_slice %arg4[%dma_wait3A_542] : memref<18874368xf32, #tpu.memory_space<hbm>> -> memref<18874368xf32, #tpu.memory_space<hbm>>
    tpu.wait_indirect_dma semaphore(%arg8 : memref<!tpu.dma_semaphore, #tpu.memory_space<semaphore_mem>>) src(%dma_wait3A_538 : memref<128xf32, #tpu.memory_space<vmem>>) dst(%dma_wait3A_543 : memref<18874368xf32, #tpu.memory_space<hbm>>)
    %dma_wait3A_544 = arith.constant 23 : i32
    %dma_wait3A_545 = arith.constant 23 : i32
    %dma_wait3A_546 = arith.constant 0 : i32
    %dma_wait3A_547 = tpu.memref_slice %arg7[%dma_wait3A_544, %dma_wait3A_546] : memref<26x128xf32, #tpu.memory_space<vmem>> -> memref<1x128xf32, #tpu.memory_space<vmem>>
    %dma_wait3A_548 = tpu.memref_squeeze %dma_wait3A_547 : memref<1x128xf32, #tpu.memory_space<vmem>> -> memref<128xf32, #tpu.memory_space<vmem>>
    %dma_wait3A_549 = arith.constant 0 : i32
    %dma_wait3A_550 = tpu.memref_slice %arg6[%dma_wait3A_545, %dma_wait3A_549] : memref<26x128xi32, #tpu.memory_space<vmem>> -> memref<1x128xi32, #tpu.memory_space<vmem>>
    %dma_wait3A_551 = tpu.memref_squeeze %dma_wait3A_550 : memref<1x128xi32, #tpu.memory_space<vmem>> -> memref<128xi32, #tpu.memory_space<vmem>>
    %dma_wait3A_552 = arith.constant 0 : i32
    %dma_wait3A_553 = tpu.memref_slice %arg4[%dma_wait3A_552] : memref<18874368xf32, #tpu.memory_space<hbm>> -> memref<18874368xf32, #tpu.memory_space<hbm>>
    tpu.wait_indirect_dma semaphore(%arg8 : memref<!tpu.dma_semaphore, #tpu.memory_space<semaphore_mem>>) src(%dma_wait3A_548 : memref<128xf32, #tpu.memory_space<vmem>>) dst(%dma_wait3A_553 : memref<18874368xf32, #tpu.memory_space<hbm>>)
    %dma_wait3A_554 = arith.constant 24 : i32
    %dma_wait3A_555 = arith.constant 24 : i32
    %dma_wait3A_556 = arith.constant 0 : i32
    %dma_wait3A_557 = tpu.memref_slice %arg7[%dma_wait3A_554, %dma_wait3A_556] : memref<26x128xf32, #tpu.memory_space<vmem>> -> memref<1x128xf32, #tpu.memory_space<vmem>>
    %dma_wait3A_558 = tpu.memref_squeeze %dma_wait3A_557 : memref<1x128xf32, #tpu.memory_space<vmem>> -> memref<128xf32, #tpu.memory_space<vmem>>
    %dma_wait3A_559 = arith.constant 0 : i32
    %dma_wait3A_560 = tpu.memref_slice %arg6[%dma_wait3A_555, %dma_wait3A_559] : memref<26x128xi32, #tpu.memory_space<vmem>> -> memref<1x128xi32, #tpu.memory_space<vmem>>
    %dma_wait3A_561 = tpu.memref_squeeze %dma_wait3A_560 : memref<1x128xi32, #tpu.memory_space<vmem>> -> memref<128xi32, #tpu.memory_space<vmem>>
    %dma_wait3A_562 = arith.constant 0 : i32
    %dma_wait3A_563 = tpu.memref_slice %arg4[%dma_wait3A_562] : memref<18874368xf32, #tpu.memory_space<hbm>> -> memref<18874368xf32, #tpu.memory_space<hbm>>
    tpu.wait_indirect_dma semaphore(%arg8 : memref<!tpu.dma_semaphore, #tpu.memory_space<semaphore_mem>>) src(%dma_wait3A_558 : memref<128xf32, #tpu.memory_space<vmem>>) dst(%dma_wait3A_563 : memref<18874368xf32, #tpu.memory_space<hbm>>)
    %dma_wait3A_564 = arith.constant 25 : i32
    %dma_wait3A_565 = arith.constant 25 : i32
    %dma_wait3A_566 = arith.constant 0 : i32
    %dma_wait3A_567 = tpu.memref_slice %arg7[%dma_wait3A_564, %dma_wait3A_566] : memref<26x128xf32, #tpu.memory_space<vmem>> -> memref<1x128xf32, #tpu.memory_space<vmem>>
    %dma_wait3A_568 = tpu.memref_squeeze %dma_wait3A_567 : memref<1x128xf32, #tpu.memory_space<vmem>> -> memref<128xf32, #tpu.memory_space<vmem>>
    %dma_wait3A_569 = arith.constant 0 : i32
    %dma_wait3A_570 = tpu.memref_slice %arg6[%dma_wait3A_565, %dma_wait3A_569] : memref<26x128xi32, #tpu.memory_space<vmem>> -> memref<1x128xi32, #tpu.memory_space<vmem>>
    %dma_wait3A_571 = tpu.memref_squeeze %dma_wait3A_570 : memref<1x128xi32, #tpu.memory_space<vmem>> -> memref<128xi32, #tpu.memory_space<vmem>>
    %dma_wait3A_572 = arith.constant 0 : i32
    %dma_wait3A_573 = tpu.memref_slice %arg4[%dma_wait3A_572] : memref<18874368xf32, #tpu.memory_space<hbm>> -> memref<18874368xf32, #tpu.memory_space<hbm>>
    tpu.wait_indirect_dma semaphore(%arg8 : memref<!tpu.dma_semaphore, #tpu.memory_space<semaphore_mem>>) src(%dma_wait3A_568 : memref<128xf32, #tpu.memory_space<vmem>>) dst(%dma_wait3A_573 : memref<18874368xf32, #tpu.memory_space<hbm>>)
    return
  }
}

module attributes {stable_mosaic.version = 14 : i64} {
  func.func @_spectrum_body(%arg0: memref<784x128xf32, #tpu.memory_space<vmem>>, %arg1: memref<784x128xf32, #tpu.memory_space<vmem>>, %arg2: memref<784x128xf32, #tpu.memory_space<vmem>>, %arg3: memref<784x128xf32, #tpu.memory_space<vmem>>) attributes {dimension_semantics = [], scalar_prefetch = 0 : i64, scratch_operands = 0 : i64, tpu.core_type = #tpu.core_type<tc>} {
    %get3A = arith.constant 0 : index
    %get3A_0 = arith.constant 0 : index
    %get3A_1 = vector.load %arg0[%get3A, %get3A_0] : memref<784x128xf32, #tpu.memory_space<vmem>>, vector<784x128xf32>
    %get3A_2 = arith.constant 0 : index
    %get3A_3 = arith.constant 0 : index
    %get3A_4 = vector.load %arg1[%get3A_2, %get3A_3] : memref<784x128xf32, #tpu.memory_space<vmem>>, vector<784x128xf32>
    %exp3A = math.exp %get3A_4 : vector<784x128xf32>
    %log1p3A = math.log1p %exp3A : vector<784x128xf32>
    %get3A_5 = arith.constant 0 : index
    %get3A_6 = arith.constant 0 : index
    %get3A_7 = vector.load %arg2[%get3A_5, %get3A_6] : memref<784x128xf32, #tpu.memory_space<vmem>>, vector<784x128xf32>
    %mul3A = arith.mulf %log1p3A, %get3A_7 : vector<784x128xf32>
    %add3A = arith.addf %get3A_1, %mul3A : vector<784x128xf32>
    %swap3A = arith.constant 0 : index
    %swap3A_8 = arith.constant 0 : index
    %swap3A_9 = vector.load %arg3[%swap3A, %swap3A_8] : memref<784x128xf32, #tpu.memory_space<vmem>>, vector<784x128xf32>
    tpu.vector_store %arg3[%swap3A, %swap3A_8], %add3A {strides = array<i32>} : memref<784x128xf32, #tpu.memory_space<vmem>>, vector<784x128xf32>,
    return
  }
}

module attributes {stable_mosaic.version = 14 : i64} {
  func.func @_stage1_body(%arg0: i32, %arg1: i32, %arg2: i32, %arg3: memref<1024x1024xbf16, #tpu.memory_space<vmem>>, %arg4: memref<1024x1024xbf16, #tpu.memory_space<vmem>>, %arg5: memref<1024x1024xbf16, #tpu.memory_space<vmem>>, %arg6: memref<1024x1024xbf16, #tpu.memory_space<vmem>>, %arg7: memref<1024x1024xbf16, #tpu.memory_space<vmem>>, %arg8: memref<1024x1024xf32, #tpu.memory_space<vmem>>, %arg9: memref<1024x1024xf32, #tpu.memory_space<vmem>>) attributes {dimension_semantics = [#tpu.dimension_semantics<parallel>, #tpu.dimension_semantics<parallel>, #tpu.dimension_semantics<arbitrary>], iteration_bounds = array<i64: 4, 4, 4>, scalar_prefetch = 0 : i64, scratch_operands = 2 : i64, tpu.core_type = #tpu.core_type<tc>, window_params = [{transform_indices = @transform_0, window_bounds = array<i64: 1024, 1024>}, {transform_indices = @transform_1, window_bounds = array<i64: 1024, 1024>}, {transform_indices = @transform_2, window_bounds = array<i64: 1024, 1024>}, {transform_indices = @transform_3, window_bounds = array<i64: 1024, 1024>}, {transform_indices = @transform_4, window_bounds = array<i64: 1024, 1024>}]} {
    %eq3A = arith.constant 0 : i32
    %eq3A_0 = arith.cmpi eq, %arg2, %eq3A : i32
    %convert_element_type3A = arith.extui %eq3A_0 : i1 to i32
    %cond3A = arith.constant 0 : i32
    %cond3A_1 = arith.cmpi ne, %convert_element_type3A, %cond3A : i32
    scf.if %cond3A_1 {
      %broadcast_in_dim3A = arith.constant 0.000000e+00 : f32
      %broadcast_in_dim3A_30 = vector.broadcast %broadcast_in_dim3A : f32 to vector<1024x1024xf32>
      %swap3A_31 = arith.constant 0 : index
      %swap3A_32 = arith.constant 0 : index
      %swap3A_33 = vector.load %arg8[%swap3A_31, %swap3A_32] : memref<1024x1024xf32, #tpu.memory_space<vmem>>, vector<1024x1024xf32>
      tpu.vector_store %arg8[%swap3A_31, %swap3A_32], %broadcast_in_dim3A_30 {strides = array<i32>} : memref<1024x1024xf32, #tpu.memory_space<vmem>>, vector<1024x1024xf32>,
      %broadcast_in_dim3A_34 = arith.constant 0.000000e+00 : f32
      %broadcast_in_dim3A_35 = vector.broadcast %broadcast_in_dim3A_34 : f32 to vector<1024x1024xf32>
      %swap3A_36 = arith.constant 0 : index
      %swap3A_37 = arith.constant 0 : index
      %swap3A_38 = vector.load %arg9[%swap3A_36, %swap3A_37] : memref<1024x1024xf32, #tpu.memory_space<vmem>>, vector<1024x1024xf32>
      tpu.vector_store %arg9[%swap3A_36, %swap3A_37], %broadcast_in_dim3A_35 {strides = array<i32>} : memref<1024x1024xf32, #tpu.memory_space<vmem>>, vector<1024x1024xf32>,
    } else {
    }
    %get3A = arith.constant 0 : index
    %get3A_2 = arith.constant 0 : index
    %get3A_3 = vector.load %arg5[%get3A, %get3A_2] : memref<1024x1024xbf16, #tpu.memory_space<vmem>>, vector<1024x1024xbf16>
    %get3A_4 = arith.constant 0 : index
    %get3A_5 = arith.constant 0 : index
    %get3A_6 = vector.load %arg8[%get3A_4, %get3A_5] : memref<1024x1024xf32, #tpu.memory_space<vmem>>, vector<1024x1024xf32>
    %get3A_7 = arith.constant 0 : index
    %get3A_8 = arith.constant 0 : index
    %get3A_9 = vector.load %arg3[%get3A_7, %get3A_8] : memref<1024x1024xbf16, #tpu.memory_space<vmem>>, vector<1024x1024xbf16>
    %dot_general3A = arith.constant dense<0.000000e+00> : vector<1024x1024xf32>
    %dot_general3A_10 = tpu.matmul %get3A_9, %get3A_3, %dot_general3A {dimension_numbers = #tpu.dot_dimension_numbers<[1], [0], [0], [1], [0, 0, 1, 1], [], []>, transpose_lhs_hint = false} : vector<1024x1024xbf16>, vector<1024x1024xbf16>, vector<1024x1024xf32> -> vector<1024x1024xf32>
    %add3A = arith.addf %get3A_6, %dot_general3A_10 : vector<1024x1024xf32>
    %swap3A = arith.constant 0 : index
    %swap3A_11 = arith.constant 0 : index
    %swap3A_12 = vector.load %arg8[%swap3A, %swap3A_11] : memref<1024x1024xf32, #tpu.memory_space<vmem>>, vector<1024x1024xf32>
    tpu.vector_store %arg8[%swap3A, %swap3A_11], %add3A {strides = array<i32>} : memref<1024x1024xf32, #tpu.memory_space<vmem>>, vector<1024x1024xf32>,
    %get3A_13 = arith.constant 0 : index
    %get3A_14 = arith.constant 0 : index
    %get3A_15 = vector.load %arg9[%get3A_13, %get3A_14] : memref<1024x1024xf32, #tpu.memory_space<vmem>>, vector<1024x1024xf32>
    %get3A_16 = arith.constant 0 : index
    %get3A_17 = arith.constant 0 : index
    %get3A_18 = vector.load %arg4[%get3A_16, %get3A_17] : memref<1024x1024xbf16, #tpu.memory_space<vmem>>, vector<1024x1024xbf16>
    %dot_general3A_19 = arith.constant dense<0.000000e+00> : vector<1024x1024xf32>
    %dot_general3A_20 = tpu.matmul %get3A_18, %get3A_3, %dot_general3A_19 {dimension_numbers = #tpu.dot_dimension_numbers<[1], [0], [0], [1], [0, 0, 1, 1], [], []>, transpose_lhs_hint = false} : vector<1024x1024xbf16>, vector<1024x1024xbf16>, vector<1024x1024xf32> -> vector<1024x1024xf32>
    %add3A_21 = arith.addf %get3A_15, %dot_general3A_20 : vector<1024x1024xf32>
    %swap3A_22 = arith.constant 0 : index
    %swap3A_23 = arith.constant 0 : index
    %swap3A_24 = vector.load %arg9[%swap3A_22, %swap3A_23] : memref<1024x1024xf32, #tpu.memory_space<vmem>>, vector<1024x1024xf32>
    tpu.vector_store %arg9[%swap3A_22, %swap3A_23], %add3A_21 {strides = array<i32>} : memref<1024x1024xf32, #tpu.memory_space<vmem>>, vector<1024x1024xf32>,
    %eq3A_25 = arith.constant 3 : i32
    %eq3A_26 = arith.cmpi eq, %arg2, %eq3A_25 : i32
    %convert_element_type3A_27 = arith.extui %eq3A_26 : i1 to i32
    %cond3A_28 = arith.constant 0 : i32
    %cond3A_29 = arith.cmpi ne, %convert_element_type3A_27, %cond3A_28 : i32
    scf.if %cond3A_29 {
      %get3A_30 = arith.constant 0 : index
      %get3A_31 = arith.constant 0 : index
      %get3A_32 = vector.load %arg8[%get3A_30, %get3A_31] : memref<1024x1024xf32, #tpu.memory_space<vmem>>, vector<1024x1024xf32>
      %convert_element_type3A_33 = arith.truncf %get3A_32 : vector<1024x1024xf32> to vector<1024x1024xbf16>
      %swap3A_34 = arith.constant 0 : index
      %swap3A_35 = arith.constant 0 : index
      %swap3A_36 = vector.load %arg6[%swap3A_34, %swap3A_35] : memref<1024x1024xbf16, #tpu.memory_space<vmem>>, vector<1024x1024xbf16>
      tpu.vector_store %arg6[%swap3A_34, %swap3A_35], %convert_element_type3A_33 {strides = array<i32>} : memref<1024x1024xbf16, #tpu.memory_space<vmem>>, vector<1024x1024xbf16>,
      %get3A_37 = arith.constant 0 : index
      %get3A_38 = arith.constant 0 : index
      %get3A_39 = vector.load %arg9[%get3A_37, %get3A_38] : memref<1024x1024xf32, #tpu.memory_space<vmem>>, vector<1024x1024xf32>
      %convert_element_type3A_40 = arith.truncf %get3A_39 : vector<1024x1024xf32> to vector<1024x1024xbf16>
      %swap3A_41 = arith.constant 0 : index
      %swap3A_42 = arith.constant 0 : index
      %swap3A_43 = vector.load %arg7[%swap3A_41, %swap3A_42] : memref<1024x1024xbf16, #tpu.memory_space<vmem>>, vector<1024x1024xbf16>
      tpu.vector_store %arg7[%swap3A_41, %swap3A_42], %convert_element_type3A_40 {strides = array<i32>} : memref<1024x1024xbf16, #tpu.memory_space<vmem>>, vector<1024x1024xbf16>,
    } else {
    }
    return
  }
  func.func @transform_0(%arg0: i32, %arg1: i32, %arg2: i32) -> (i32, i32) {
    %c0_i32 = arith.constant 0 : i32
    return %arg0, %arg2 : i32, i32
  }
  func.func @transform_1(%arg0: i32, %arg1: i32, %arg2: i32) -> (i32, i32) {
    %c0_i32 = arith.constant 0 : i32
    return %arg0, %arg2 : i32, i32
  }
  func.func @transform_2(%arg0: i32, %arg1: i32, %arg2: i32) -> (i32, i32) {
    %c0_i32 = arith.constant 0 : i32
    return %arg2, %arg1 : i32, i32
  }
  func.func @transform_3(%arg0: i32, %arg1: i32, %arg2: i32) -> (i32, i32) {
    %c0_i32 = arith.constant 0 : i32
    return %arg0, %arg1 : i32, i32
  }
  func.func @transform_4(%arg0: i32, %arg1: i32, %arg2: i32) -> (i32, i32) {
    %c0_i32 = arith.constant 0 : i32
    return %arg0, %arg1 : i32, i32
  }
}

module attributes {stable_mosaic.version = 14 : i64} {
  func.func @_stage2_body(%arg0: i32, %arg1: i32, %arg2: i32, %arg3: memref<1024x1024xbf16, #tpu.memory_space<vmem>>, %arg4: memref<1024x1024xbf16, #tpu.memory_space<vmem>>, %arg5: memref<1024x1024xbf16, #tpu.memory_space<vmem>>, %arg6: memref<1024x1024xbf16, #tpu.memory_space<vmem>>, %arg7: memref<1024x1024xf32, #tpu.memory_space<vmem>>, %arg8: memref<1024x1024xf32, #tpu.memory_space<vmem>>) attributes {dimension_semantics = [#tpu.dimension_semantics<parallel>, #tpu.dimension_semantics<parallel>, #tpu.dimension_semantics<arbitrary>], iteration_bounds = array<i64: 4, 4, 4>, scalar_prefetch = 0 : i64, scratch_operands = 1 : i64, tpu.core_type = #tpu.core_type<tc>, window_params = [{transform_indices = @transform_0, window_bounds = array<i64: 1024, 1024>}, {transform_indices = @transform_1, window_bounds = array<i64: 1024, 1024>}, {transform_indices = @transform_2, window_bounds = array<i64: 1024, 1024>}, {transform_indices = @transform_3, window_bounds = array<i64: 1024, 1024>}, {transform_indices = @transform_4, window_bounds = array<i64: 1024, 1024>}]} {
    %eq3A = arith.constant 0 : i32
    %eq3A_0 = arith.cmpi eq, %arg2, %eq3A : i32
    %convert_element_type3A = arith.extui %eq3A_0 : i1 to i32
    %cond3A = arith.constant 0 : i32
    %cond3A_1 = arith.cmpi ne, %convert_element_type3A, %cond3A : i32
    scf.if %cond3A_1 {
      %broadcast_in_dim3A = arith.constant 0.000000e+00 : f32
      %broadcast_in_dim3A_32 = vector.broadcast %broadcast_in_dim3A : f32 to vector<1024x1024xf32>
      %swap3A_33 = arith.constant 0 : index
      %swap3A_34 = arith.constant 0 : index
      %swap3A_35 = vector.load %arg8[%swap3A_33, %swap3A_34] : memref<1024x1024xf32, #tpu.memory_space<vmem>>, vector<1024x1024xf32>
      tpu.vector_store %arg8[%swap3A_33, %swap3A_34], %broadcast_in_dim3A_32 {strides = array<i32>} : memref<1024x1024xf32, #tpu.memory_space<vmem>>, vector<1024x1024xf32>,
    } else {
    }
    %get3A = arith.constant 0 : index
    %get3A_2 = arith.constant 0 : index
    %get3A_3 = vector.load %arg8[%get3A, %get3A_2] : memref<1024x1024xf32, #tpu.memory_space<vmem>>, vector<1024x1024xf32>
    %get3A_4 = arith.constant 0 : index
    %get3A_5 = arith.constant 0 : index
    %get3A_6 = vector.load %arg3[%get3A_4, %get3A_5] : memref<1024x1024xbf16, #tpu.memory_space<vmem>>, vector<1024x1024xbf16>
    %get3A_7 = arith.constant 0 : index
    %get3A_8 = arith.constant 0 : index
    %get3A_9 = vector.load %arg5[%get3A_7, %get3A_8] : memref<1024x1024xbf16, #tpu.memory_space<vmem>>, vector<1024x1024xbf16>
    %dot_general3A = arith.constant dense<0.000000e+00> : vector<1024x1024xf32>
    %dot_general3A_10 = tpu.matmul %get3A_6, %get3A_9, %dot_general3A {dimension_numbers = #tpu.dot_dimension_numbers<[1], [0], [0], [1], [0, 0, 1, 1], [], []>, transpose_lhs_hint = false} : vector<1024x1024xbf16>, vector<1024x1024xbf16>, vector<1024x1024xf32> -> vector<1024x1024xf32>
    %add3A = arith.addf %get3A_3, %dot_general3A_10 : vector<1024x1024xf32>
    %swap3A = arith.constant 0 : index
    %swap3A_11 = arith.constant 0 : index
    %swap3A_12 = vector.load %arg8[%swap3A, %swap3A_11] : memref<1024x1024xf32, #tpu.memory_space<vmem>>, vector<1024x1024xf32>
    tpu.vector_store %arg8[%swap3A, %swap3A_11], %add3A {strides = array<i32>} : memref<1024x1024xf32, #tpu.memory_space<vmem>>, vector<1024x1024xf32>,
    %get3A_13 = arith.constant 0 : index
    %get3A_14 = arith.constant 0 : index
    %get3A_15 = vector.load %arg8[%get3A_13, %get3A_14] : memref<1024x1024xf32, #tpu.memory_space<vmem>>, vector<1024x1024xf32>
    %get3A_16 = arith.constant 0 : index
    %get3A_17 = arith.constant 0 : index
    %get3A_18 = vector.load %arg4[%get3A_16, %get3A_17] : memref<1024x1024xbf16, #tpu.memory_space<vmem>>, vector<1024x1024xbf16>
    %get3A_19 = arith.constant 0 : index
    %get3A_20 = arith.constant 0 : index
    %get3A_21 = vector.load %arg6[%get3A_19, %get3A_20] : memref<1024x1024xbf16, #tpu.memory_space<vmem>>, vector<1024x1024xbf16>
    %dot_general3A_22 = arith.constant dense<0.000000e+00> : vector<1024x1024xf32>
    %dot_general3A_23 = tpu.matmul %get3A_18, %get3A_21, %dot_general3A_22 {dimension_numbers = #tpu.dot_dimension_numbers<[1], [0], [0], [1], [0, 0, 1, 1], [], []>, transpose_lhs_hint = false} : vector<1024x1024xbf16>, vector<1024x1024xbf16>, vector<1024x1024xf32> -> vector<1024x1024xf32>
    %sub3A = arith.subf %get3A_15, %dot_general3A_23 : vector<1024x1024xf32>
    %swap3A_24 = arith.constant 0 : index
    %swap3A_25 = arith.constant 0 : index
    %swap3A_26 = vector.load %arg8[%swap3A_24, %swap3A_25] : memref<1024x1024xf32, #tpu.memory_space<vmem>>, vector<1024x1024xf32>
    tpu.vector_store %arg8[%swap3A_24, %swap3A_25], %sub3A {strides = array<i32>} : memref<1024x1024xf32, #tpu.memory_space<vmem>>, vector<1024x1024xf32>,
    %eq3A_27 = arith.constant 3 : i32
    %eq3A_28 = arith.cmpi eq, %arg2, %eq3A_27 : i32
    %convert_element_type3A_29 = arith.extui %eq3A_28 : i1 to i32
    %cond3A_30 = arith.constant 0 : i32
    %cond3A_31 = arith.cmpi ne, %convert_element_type3A_29, %cond3A_30 : i32
    scf.if %cond3A_31 {
      %iota3A = tpu.iota {dimensions = array<i32: 0>} : vector<1024x1024xi32>
      %iota3A_32 = tpu.iota {dimensions = array<i32: 1>} : vector<1024x1024xi32>
      %add3A_33 = arith.addi %iota3A, %iota3A_32 : vector<1024x1024xi32>
      %and3A = arith.constant 1 : i32
      %and3A_34 = vector.broadcast %and3A : i32 to vector<1024x1024xi32>
      %and3A_35 = arith.andi %add3A_33, %and3A_34 : vector<1024x1024xi32>
      %eq3A_36 = arith.constant 0 : i32
      %eq3A_37 = vector.broadcast %eq3A_36 : i32 to vector<1024x1024xi32>
      %eq3A_38 = arith.cmpi eq, %and3A_35, %eq3A_37 : vector<1024x1024xi32>
      %jit3A = arith.constant 8.94069671E-6 : f32
      %jit3A_39 = arith.constant -8.94069671E-6 : f32
      %broadcast_in_dim3A = vector.broadcast %jit3A : f32 to vector<1024x1024xf32>
      %broadcast_in_dim3A_40 = vector.broadcast %jit3A_39 : f32 to vector<1024x1024xf32>
      %select_n3A = arith.select %eq3A_38, %broadcast_in_dim3A, %broadcast_in_dim3A_40 : vector<1024x1024xi1>, vector<1024x1024xf32>
      %get3A_41 = arith.constant 0 : index
      %get3A_42 = arith.constant 0 : index
      %get3A_43 = vector.load %arg8[%get3A_41, %get3A_42] : memref<1024x1024xf32, #tpu.memory_space<vmem>>, vector<1024x1024xf32>
      %mul3A = arith.mulf %get3A_43, %select_n3A : vector<1024x1024xf32>
      %swap3A_44 = arith.constant 0 : index
      %swap3A_45 = arith.constant 0 : index
      %swap3A_46 = vector.load %arg7[%swap3A_44, %swap3A_45] : memref<1024x1024xf32, #tpu.memory_space<vmem>>, vector<1024x1024xf32>
      tpu.vector_store %arg7[%swap3A_44, %swap3A_45], %mul3A {strides = array<i32>} : memref<1024x1024xf32, #tpu.memory_space<vmem>>, vector<1024x1024xf32>,
    } else {
    }
    return
  }
  func.func @transform_0(%arg0: i32, %arg1: i32, %arg2: i32) -> (i32, i32) {
    %c0_i32 = arith.constant 0 : i32
    return %arg0, %arg2 : i32, i32
  }
  func.func @transform_1(%arg0: i32, %arg1: i32, %arg2: i32) -> (i32, i32) {
    %c0_i32 = arith.constant 0 : i32
    return %arg0, %arg2 : i32, i32
  }
  func.func @transform_2(%arg0: i32, %arg1: i32, %arg2: i32) -> (i32, i32) {
    %c0_i32 = arith.constant 0 : i32
    return %arg2, %arg1 : i32, i32
  }
  func.func @transform_3(%arg0: i32, %arg1: i32, %arg2: i32) -> (i32, i32) {
    %c0_i32 = arith.constant 0 : i32
    return %arg2, %arg1 : i32, i32
  }
  func.func @transform_4(%arg0: i32, %arg1: i32, %arg2: i32) -> (i32, i32) {
    %c0_i32 = arith.constant 0 : i32
    return %arg0, %arg1 : i32, i32
  }
}

</mosaic_0001>

<sc_bundles>
// kernel: kernel.6.cloned.1.call-start
scs
__scs_entry_jumppad:
0x0: {  	(pc) =	sbr.rel $0x88, $3  }
0x1: {  	(tag) =	ssettag $0x0;
	lr =	simm.s32 $0x1  }
0x2: {  	[smem:$0x3F9D] =	sst lr;
	_ =	strace $0xD0000000  }
0x3: {  	_ = 	snop  }
0x4: {  	_ = 	snop  }
0x5: {  	_ = 	snop  }
0x6: {  	_ = 	snop  }
0x7: {  	_ = 	snop  }
__scs_overlays_trampoline_lowered:
0x8: {  	[smem:$0x3FAC] =	sst s0  }
0x9: {  	[smem:$0x3FAD] =	sst s1  }
0xa: {  	[smem:$0x3FAE] =	sst s2  }
0xb: {  	[smem:$0x3FAF] =	sst s3  }
0xc: {  	[smem:$0x3FB0] =	sst s4  }
0xd: {  	[smem:$0x3FB1] =	sst s5  }
0xe: {  	[smem:$0x3FB2] =	sst s6  }
0xf: {  	[smem:$0x3FB3] =	sst s7  }
0x10: {  	[smem:$0x3FB4] =	sst s8  }
0x11: {  	[smem:$0x3FB5] =	sst s9;
	s0 =	simm.s32 @!p0 $0x0  }
0x12: {  	s1 =	sld [smem:$0x3F9B];
	s0 =	simm.s32 @p0 $0x1  }
0x13: {  	[smem:$0x3FB6] =	sst s0;
	s0 =	simm.s32 @!p1 $0x0  }
0x14: {  	s2 =	sld [smem:$0x3F9A];
	s0 =	simm.s32 @p1 $0x1  }
0x15: {  	[smem:$0x3FB7] =	sst s0;
	s0 =	simm.s32 @!p2 $0x0  }
0x16: {  	s3 =	sld [smem:$0x3FDB];
	s0 =	simm.s32 @p2 $0x1  }
0x17: {  	s4 =	simm.s32 $0x1BF5;
	[smem:$0x3FB9] =	sst s0  }
0x18: {  	s0 =	sld [smem:$0x3F9C];
	_ =	swait.ge [sflag:s4], $0x0  }
0x19: {  	s7 =	sld [smem:$0x3F9D]  }
0x1a: {  	s8 =	sadd.s32 $0xFFFFE003, lr  }
0x1b: {  	s9 =	sadd.s32 $0xFFFFFEF7, lr;
	s5 =	simm.s32 $0xFFFFFFFF;
	p2 =	slt.u32 s8, $0xFFFFF086  }
0x1c: {  	p1 =	slt.u32 s9, $0xF7A;
	s5 =	simm.s32 @!p2 $0x0  }
0x1d: {  	s5 =	simm.s32 @p1 $0x1;
	p0 =	seq.s32 s7, s2  }
0x1e: {  	s7 =	smul.u32 @!p0 $0xF7A, s2;
	p2 =	seq.s32 @!p0 s5, $0x0  }
0x1f: {  	s9 =	smul.u32 $0xF7A, s1;
	s8 =	simm.s32 @!p0 $0x1BF5;
	p2 =	por !p2, p0  }
0x20: {  	[sflag:s8] =	ssyncset.s32 @!p0 $0xFFFFF086;
	s6 =	sadd.s32 @!p0 s3, s7;
	s7 =	simm.s32 @!p0 $0x108  }
0x21: {  	s3 =	sadd.s32 s3, s9;
	s6 =	sadd.s32 @!p0 $0x88, s6;
	s7 =	simm.s32 @p2 $0x1082  }
0x22: {  	[simem:s7], [sflag:s8] =	dma.local @!p0 [hbm:s6], $0xF7A  }
0x23: {  	s9 =	sor.u32 $0xD0000000, s2;
	s6 =	simm.s32 $0x108;
	_ =	swait.ge @!p0 [sflag:s8], $0x0  }
0x24: {  	s3 =	sadd.s32 $0x88, s3;
	s6 =	simm.s32 @!p1 $0x1082;
	[sflag:s4] =	ssyncset.s32 $0xFFFFF086  }
0x25: {  	[simem:s6], [sflag:s4] =	dma.local [hbm:s3], $0xF7A  }
0x26: {  	[smem:$0x3F9D] =	sst s1;
	(tag) =	ssettag s2;
	_ =	strace s9  }
0x27: {  	s1 =	sld [smem:$0x3FAD]  }
0x28: {  	s2 =	sld [smem:$0x3FAE]  }
0x29: {  	s4 =	sld [smem:$0x3FB0]  }
0x2a: {  	p0 =	seq.s32 s5, $0x0;
	s5 =	sld [smem:$0x3FB1]  }
0x2b: {  	s6 =	sld [smem:$0x3FB2]  }
0x2c: {  	s7 =	sld [smem:$0x3FB3]  }
0x2d: {  	s3 =	simm.s32 $0x108;
	s8 =	sld [smem:$0x3FB4]  }
0x2e: {  	s3 =	simm.s32 @!p0 $0x1082;
	s9 =	sld [smem:$0x3FB5]  }
0x2f: {  	lr =	sadd.s32 s0, s3;
	s0 =	sld [smem:$0x3FAC]  }
0x30: {  	s3 =	sld [smem:$0x3FAF]  }
0x31: {  	[smem:$0x3FB8] =	sst s10  }
0x32: {  	s10 =	sld [smem:$0x3FB6];
	_ =	sdelay $0x3  }
0x33: {  	p0 =	seq.s32 s10, $0x1;
	s10 =	sld [smem:$0x3FB8];
	_ =	sdelay $0x3  }
0x34: {  	[smem:$0x3FB8] =	sst s10  }
0x35: {  	s10 =	sld [smem:$0x3FB7];
	_ =	sdelay $0x3  }
0x36: {  	p1 =	seq.s32 s10, $0x1;
	s10 =	sld [smem:$0x3FB8];
	_ =	sdelay $0x3  }
0x37: {  	[smem:$0x3FB8] =	sst s10  }
0x38: {  	s10 =	sld [smem:$0x3FB9]  }
0x39: {  	_ = 	snop;
	(pc) =	sbr.ind lr, $3  }
0x3a: {  	_ = 	snop  }
0x3b: {  	_ = 	snop  }
0x3c: {  	p2 =	seq.s32 s10, $0x1;
	s10 =	sld [smem:$0x3FB8]  }
0x3d: {  	_ =	shalt  }
0x3e: {  	_ =	shalt  }
0x3f: {  	_ =	shalt  }
0x40: {  	_ =	shalt  }
0x41: {  	_ =	shalt  }
0x42: {  	_ =	shalt  }
0x43: {  	_ =	shalt  }
0x44: {  	_ =	shalt  }
0x45: {  	_ =	shalt  }
0x46: {  	_ =	shalt  }
0x47: {  	_ =	shalt  }
0x48: {  	_ =	shalt  }
0x49: {  	_ =	shalt  }
0x4a: {  	_ =	shalt  }
0x4b: {  	_ =	shalt  }
0x4c: {  	_ =	shalt  }
0x4d: {  	_ =	shalt  }
0x4e: {  	_ =	shalt  }
0x4f: {  	_ =	shalt  }
0x50: {  	_ =	shalt  }
0x51: {  	_ =	shalt  }
0x52: {  	_ =	shalt  }
0x53: {  	_ =	shalt  }
0x54: {  	_ =	shalt  }
0x55: {  	_ =	shalt  }
0x56: {  	_ =	shalt  }
0x57: {  	_ =	shalt  }
0x58: {  	_ =	shalt  }
0x59: {  	_ =	shalt  }
0x5a: {  	_ =	shalt  }
0x5b: {  	_ =	shalt  }
0x5c: {  	_ =	shalt  }
0x5d: {  	_ =	shalt  }
0x5e: {  	_ =	shalt  }
0x5f: {  	_ =	shalt  }
0x60: {  	_ =	shalt  }
0x61: {  	_ =	shalt  }
0x62: {  	_ =	shalt  }
0x63: {  	_ =	shalt  }
0x64: {  	_ =	shalt  }
0x65: {  	_ =	shalt  }
0x66: {  	_ =	shalt  }
0x67: {  	_ =	shalt  }
0x68: {  	_ =	shalt  }
0x69: {  	_ =	shalt  }
0x6a: {  	_ =	shalt  }
0x6b: {  	_ =	shalt  }
0x6c: {  	_ =	shalt  }
0x6d: {  	_ =	shalt  }
0x6e: {  	_ =	shalt  }
0x6f: {  	_ =	shalt  }
0x70: {  	_ =	shalt  }
0x71: {  	_ =	shalt  }
0x72: {  	_ =	shalt  }
0x73: {  	_ =	shalt  }
0x74: {  	_ =	shalt  }
0x75: {  	_ =	shalt  }
0x76: {  	_ =	shalt  }
0x77: {  	_ =	shalt  }
0x78: {  	_ =	shalt  }
0x79: {  	_ =	shalt  }
0x7a: {  	_ =	shalt  }
0x7b: {  	_ =	shalt  }
0x7c: {  	_ =	shalt  }
0x7d: {  	_ =	shalt  }
0x7e: {  	_ =	shalt  }
0x7f: {  	_ =	shalt  }
0x80: {  	_ =	shalt  }
0x81: {  	_ =	shalt  }
0x82: {  	_ =	shalt  }
0x83: {  	_ =	shalt  }
0x84: {  	_ =	shalt  }
0x85: {  	_ =	shalt  }
0x86: {  	_ =	shalt  }
0x87: {  	_ =	shalt  }
.Lfunc_end0:
.L_simem_size_0:
called_computation_lowered:
.L_overlay_start_0:
0x88: {  	s2 =	sld [smem:$0x3FD9]  }
0x89: {  	s3 =	sld [smem:$0x3FFE];
	_ =	sdelay $0x1  }
0x8a: {  	s1 =	srdreg.scid  }
0x8b: {  	s0 =	sand.u32 $0x1, s1  }
0x8c: {  	s17 =	sshll.u32 s0, $0xA;
	s2 =	sadd.s32 s3, s2  }
0x8d: {  	s2 =	sadd.s32 s2, s17  }
0x8e: {  	[smem:$0x3FC4] =	sst s2  }
0x8f: {  	_ = 	snop  }
0x90: {  	s2 =	sld [smem:$0x3FD0];
	(tm) =	ssettm $0x1  }
0x91: {  	s18 =	sld [smem:$0x3FFB];
	_ =	sdelay $0x3  }
0x92: {  	_ =	strace s18  }
0x93: {  	s3 =	sld [smem:$0x3FFC];
	_ =	sdelay $0x3  }
0x94: {  	_ =	strace s3  }
0x95: {  	s3 =	sld [smem:$0x3FFD];
	_ =	sdelay $0x3  }
0x96: {  	_ =	strace s3  }
0x97: {  	_ =	strace $0x8FFFFFFF  }
0x98: {  	s19 =	sld [smem:$0x3FDB];
	_ =	sdelay $0x1  }
0x99: {  	s4 =	simm.s32 $_scs_section_size  }
0x9a: {  	s5 =	simm.s32 $_size__tile_overlayer_lowered;
	s6 =	simm.s32 $_tile_overlayer_lowered  }
0x9b: {  	s22 =	simm.s32 $0x1BFF;
	s21 =	sshll.u32 s6, $0x1;
	s3 =	sadd.s32 s4, s19  }
0x9c: {  	s7 =	simm.s32 $0x0;
	s20 =	sshll.u32 s5, $0x1;
	s5 =	sadd.s32 s21, s3  }
0x9d: {  	[timem:s7], [sflag:s22] =	dma.local [hbm:s5], s20  }
0x9e: {  	_ =	swait.ge [sflag:s22], s20  }
0x9f: {  	s4 =	ssub.s32 $0x0, s20;
	[sflag:s22] =	ssyncset.done $0x0  }
0xa0: {  	[sflag:s22] =	ssyncadd.s32 s4;
	_ =	sdelay $0x1  }
0xa1: {  	s23 =	simm.s32 $0x1B8B  }
0xa2: {  	_ =	swait.ge [sflag:s23], $0x1  }
0xa3: {  	[sflag:s23] =	ssyncset.done $0x0  }
0xa4: {  	s25 =	simm.s32 $0x1B8E;
	s24 =	sld [smem:$0x3FFE];
	[sflag:s23] =	ssyncadd.s32 $0xFFFFFFFF  }
0xa5: {  	s26 =	simm.s32 $execute0_lowered;
	[smem:$0x3FD2] =	sst s25  }
0xa6: {  	s5 =	sshll.u32 s26, $0x1;
	_ =	strace $0x80000046;
	[dreg:$0x1] =	wrdreg $0xFFFFFFFF  }
0xa7: {  	s28 =	simm.s32 $_size_execute0_lowered;
	s3 =	sadd.s32 s3, s5;
	[dreg:$0x0] =	wrdreg $0x0  }
0xa8: {  	s5 =	sshll.u32 s28, $0x1;
	[dreg:$0x2] =	wrdreg s3  }
0xa9: {  	[dreg:$0x3] =	wrdreg s5  }
0xaa: {  	[dreg:$0x4] =	wrdreg $0xC0  }
0xab: {  	_ =	task [dreg:s7], $0x5FFFF  }
0xac: {  	[dreg:$0x1] =	wrdreg $0xFFFFFFFF  }
0xad: {  	[dreg:$0x0] =	wrdreg $0x60  }
0xae: {  	[dreg:$0x2] =	wrdreg s2  }
0xaf: {  	[dreg:$0x3] =	wrdreg s24  }
0xb0: {  	[dreg:$0x4] =	wrdreg $0x9  }
0xb1: {  	_ =	task.clear_ibuf [dreg:s7], $0x5FFFF;
	_ =	strace $0x90000046  }
0xb2: {  	s29 =	simm.s32 $0x9;
	_ =	strace $0x80000048  }
0xb3: {  	_ =	swait.ge [sflag:s29], $0x1  }
0xb4: {  	[sflag:s29] =	ssyncadd.s32 $0xFFFFFFFF  }
0xb5: {  	_ =	strace $0x90000048  }
0xb6: {  	_ =	sfence  }
0xb7: {  	s30 =	sld [smem:$0x0];
	_ =	sdelay $0x2  }
0xb8: {  	s31 =	sshll.u32 s1, $0xD;
	s1 =	sshrl.u32 s1, $0x2  }
0xb9: {  	s3 =	sand.u32 $0x4000, s31;
	s1 =	sadd.s32 s1, s30  }
0xba: {  	s0 =	sor.u32 s3, s0;
	s1 =	sshll.u32 s1, $0x11  }
0xbb: {  	s0 =	sor.u32 s1, s0  }
0xbc: {  	s0 =	sadd.s32 $0x8F2B, s0  }
0xbd: {  	[sflag:s0] =	ssyncadd.remote.s32 $0x1  }
0xbe: {  	_ =	sfence.sel $0xFFFF  }
0xbf: {  	[dreg:$0x0] =	wrdreg $0xFFFFFFFF;
	(pc) =	sbr.abs _section_cstart, $3  }
0xc0: {  	[dreg:$0x1] =	wrdreg $0xFFFFFFFF  }
0xc1: {  	_ =	task.clear_ibuf [dreg:s7], $0x2FFFF;
	_ =	strace $0x9FFFFFFF  }
0xc2: {  	(tm) =	ssettm $0x7FFFFFFF  }
0xc3: {  	_ =	shalt  }
tec
execute0_lowered:
.L_overlay_start_1:
0x0: {  	(tag) =	ssettag $0x1  }
0x1: {  	s0 =	rddreg [dreg:$0x0]  }
0x2: {  	s2 =	rddreg [dreg:$0x1];
	s1 =	simm.s32 $0x0;
	s3 =	srdreg.scid  }
0x3: {  	s24 =	stileid.u32;
	s15 =	simm.s32 $0x2;
	s16 =	simm.s32 $0x10000  }
0x4: {  	s17 =	simm.s32 $0x3;
	s18 =	simm.s32 $0x11000;
	s19 =	simm.s32 $0x80  }
0x5: {  	s22 =	simm.s32 $0x11A80;
	s23 =	simm.s32 $0x10B00;
	s28 =	simm.s32 $0x10C00  }
0x6: {  	s29 =	simm.s32 $0x11C00;
	s30 =	simm.s32 $0x10C80;
	s31 =	simm.s32 $0x11C80  }
0x7: {  	[smem:$0x7FF] =	sst s1;
	s4 =	sand.u32 $0x1, s3;
	s6 =	sshll.u32 s24, $0x9  }
0x8: {  	s8 =	sshll.u32 s24, $0x10;
	s3 =	sadd.s32 $0x6000, s2;
	s24 =	simm.s32 $0x11B00  }
0x9: {  	_ =	strace $0x80000047;
	s5 =	sshll.u32 s4, $0xD;
	s7 =	sshll.u32 s4, $0x14  }
0xa: {  	s9 =	ssub.s32 $0x2, s4;
	s25 =	sor.u32 s8, s7;
	s12 =	sor.u32 s6, s5  }
0xb: {  	s26 =	sshrl.u32 s9, $0x1;
	s4 =	sadd.s32 s3, s25;
	s2 =	sadd.s32 s12, s2  }
0xc: {  	s14 =	ssub.s32 s9, s26;
	s12 =	sadd.s32 s0, s12;
	s25 =	simm.s32 $0x10B80  }
0xd: {  	s26 =	simm.s32 $0x11B80;
	s0 =	simm.s32 $0x1;
	s5 =	sadd.s32 $0x2000, s4  }
0xe: {  	s6 =	sadd.s32 $0x4000, s4;
	s7 =	sadd.s32 $0x6000, s4;
	s8 =	sadd.s32 $0x8000, s4  }
0xf: {  	s9 =	sadd.s32 $0xA000, s4;
	s10 =	sadd.s32 $0xC000, s4;
	s11 =	sadd.s32 $0xE000, s4  }
0x10: {  	v0 =	vimm.f32 $0.0e+00;
	s13 =	sadd.s32 $0x2000, s2;
	s14 =	smax.u32 s14, $0x1;
	s2 =	simm.s32 $0x0  }
.LBB2_1:
0x11: {  	s20 =	simm.s32 $0x40;
	s21 =	simm.s32 $0x0  }
.LBB2_2:
0x12: {  	p0 =	sne.s32 s20, $0x3FFC0;
	[tilespmem:s21+$0x0] =	vst v0;
	s21 =	smov.u32 s20;
	s20 =	sadd.s32 $0x40, s20  }
.Ltmp0:
0x13: {  	(pc) =	sbr.rel @p0 .LBB2_2-.Ltmp0, $2  }
0x14: {  	_ =	sdelay $0x2  }
0x15: {  	s21 =	sshra.s32 s21, $0x2  }
0x16: {  	[tilespmem:s21+$0x0] =	vst v0  }
0x17: {  	[hbm4b:s4+s1] =	stream.linear.scatter [tilespmem:s1], [sflag:$0x2], $0x10000, $0x38;
	[tilespmem:$0x12000] =	vst v63  }
0x18: {  	_ = 	snop  }
0x19: {  	[hbm4b:s5+s1] =	stream.linear.scatter [tilespmem:s1], [sflag:$0x2], $0x10000, $0x38;
	[tilespmem:$0x12000] =	vst v63  }
0x1a: {  	_ = 	snop  }
0x1b: {  	[hbm4b:s6+s1] =	stream.linear.scatter [tilespmem:s1], [sflag:$0x2], $0x10000, $0x38;
	[tilespmem:$0x12000] =	vst v63  }
0x1c: {  	_ = 	snop  }
0x1d: {  	[hbm4b:s7+s1] =	stream.linear.scatter [tilespmem:s1], [sflag:$0x2], $0x10000, $0x38;
	[tilespmem:$0x12000] =	vst v63  }
0x1e: {  	_ = 	snop  }
0x1f: {  	[hbm4b:s8+s1] =	stream.linear.scatter [tilespmem:s1], [sflag:$0x2], $0x10000, $0x38;
	[tilespmem:$0x12000] =	vst v63  }
0x20: {  	_ = 	snop  }
0x21: {  	[hbm4b:s9+s1] =	stream.linear.scatter [tilespmem:s1], [sflag:$0x2], $0x10000, $0x38;
	[tilespmem:$0x12000] =	vst v63  }
0x22: {  	_ = 	snop  }
0x23: {  	[hbm4b:s10+s1] =	stream.linear.scatter [tilespmem:s1], [sflag:$0x2], $0x10000, $0x38;
	[tilespmem:$0x12000] =	vst v63  }
0x24: {  	_ = 	snop  }
0x25: {  	[hbm4b:s11+s1] =	stream.linear.scatter [tilespmem:s1], [sflag:$0x2], $0x10000, $0x38;
	[tilespmem:$0x12000] =	vst v63  }
0x26: {  	_ =	swait.ge [sflag:s15], $0x10000  }
0x27: {  	[sflag:s15] =	ssyncset.done $0x0  }
0x28: {  	[sflag:s15] =	ssyncadd.s32 $0xFFFF0000  }
0x29: {  	_ =	swait.ge [sflag:s15], $0x10000  }
0x2a: {  	[sflag:s15] =	ssyncset.done $0x0  }
0x2b: {  	[sflag:s15] =	ssyncadd.s32 $0xFFFF0000  }
0x2c: {  	_ =	swait.ge [sflag:s15], $0x10000  }
0x2d: {  	[sflag:s15] =	ssyncset.done $0x0  }
0x2e: {  	[sflag:s15] =	ssyncadd.s32 $0xFFFF0000  }
0x2f: {  	_ =	swait.ge [sflag:s15], $0x10000  }
0x30: {  	[sflag:s15] =	ssyncset.done $0x0  }
0x31: {  	[sflag:s15] =	ssyncadd.s32 $0xFFFF0000  }
0x32: {  	_ =	swait.ge [sflag:s15], $0x10000  }
0x33: {  	[sflag:s15] =	ssyncset.done $0x0  }
0x34: {  	[sflag:s15] =	ssyncadd.s32 $0xFFFF0000  }
0x35: {  	_ =	swait.ge [sflag:s15], $0x10000  }
0x36: {  	[sflag:s15] =	ssyncset.done $0x0  }
0x37: {  	[sflag:s15] =	ssyncadd.s32 $0xFFFF0000  }
0x38: {  	_ =	swait.ge [sflag:s15], $0x10000  }
0x39: {  	[sflag:s15] =	ssyncset.done $0x0  }
0x3a: {  	[sflag:s15] =	ssyncadd.s32 $0xFFFF0000  }
0x3b: {  	_ =	swait.ge [sflag:s15], $0x10000  }
0x3c: {  	[sflag:s15] =	ssyncset.done $0x0  }
0x3d: {  	[sflag:s15] =	ssyncadd.s32 $0xFFFF0000  }
0x3e: {  	[bflag:$0x0] =	sbarrier.arrive $0xFFFF  }
0x3f: {  	[tilespmem:s16], [sflag:$0x3] =	stream.linear.gather [hbm4b:s12+s1], $0xD00, $0x38;
	[tilespmem:$0x12000] =	vst v63  }
0x40: {  	_ =	swait.ge [sflag:s17], $0xD00  }
0x41: {  	[sflag:s17] =	ssyncset.done $0x0  }
0x42: {  	[sflag:s17] =	ssyncadd.s32 $0xFFFFF300  }
0x43: {  	[tilespmem:s18], [sflag:$0x3] =	stream.linear.gather [hbm4b:s13+s1], $0xD00, $0x38;
	[tilespmem:$0x12000] =	vst v63  }
0x44: {  	_ =	swait.ge [sflag:s17], $0xD00  }
0x45: {  	[sflag:s17] =	ssyncset.done $0x0  }
0x46: {  	[sflag:s17] =	ssyncadd.s32 $0xFFFFF300  }
0x47: {  	[hbm4b:s3+s19] =	stream.indirect.scatter [tilespmem:s18], [sflag:$0x1], $0x1, s16, s19, $0xb8;
	[tilespmem:$0x12000] =	vst v63  }
0x48: {  	s20 =	simm.s32 $0x10080;
	s21 =	simm.s32 $0x11080  }
0x49: {  	[hbm4b:s3+s19] =	stream.indirect.scatter [tilespmem:s21], [sflag:$0x1], $0x1, s20, s19, $0xb8;
	[tilespmem:$0x12000] =	vst v63  }
0x4a: {  	s20 =	simm.s32 $0x10100;
	s21 =	simm.s32 $0x11100  }
0x4b: {  	[hbm4b:s3+s19] =	stream.indirect.scatter [tilespmem:s21], [sflag:$0x1], $0x1, s20, s19, $0xb8;
	[tilespmem:$0x12000] =	vst v63  }
0x4c: {  	s20 =	simm.s32 $0x10180;
	s21 =	simm.s32 $0x11180  }
0x4d: {  	[hbm4b:s3+s19] =	stream.indirect.scatter [tilespmem:s21], [sflag:$0x1], $0x1, s20, s19, $0xb8;
	[tilespmem:$0x12000] =	vst v63  }
0x4e: {  	s20 =	simm.s32 $0x10200;
	s21 =	simm.s32 $0x11200  }
0x4f: {  	[hbm4b:s3+s19] =	stream.indirect.scatter [tilespmem:s21], [sflag:$0x1], $0x1, s20, s19, $0xb8;
	[tilespmem:$0x12000] =	vst v63  }
0x50: {  	s20 =	simm.s32 $0x10280;
	s21 =	simm.s32 $0x11280  }
0x51: {  	[hbm4b:s3+s19] =	stream.indirect.scatter [tilespmem:s21], [sflag:$0x1], $0x1, s20, s19, $0xb8;
	[tilespmem:$0x12000] =	vst v63  }
0x52: {  	s20 =	simm.s32 $0x10300;
	s21 =	simm.s32 $0x11300  }
0x53: {  	[hbm4b:s3+s19] =	stream.indirect.scatter [tilespmem:s21], [sflag:$0x1], $0x1, s20, s19, $0xb8;
	[tilespmem:$0x12000] =	vst v63  }
0x54: {  	s20 =	simm.s32 $0x10380;
	s21 =	simm.s32 $0x11380  }
0x55: {  	[hbm4b:s3+s19] =	stream.indirect.scatter [tilespmem:s21], [sflag:$0x1], $0x1, s20, s19, $0xb8;
	[tilespmem:$0x12000] =	vst v63  }
0x56: {  	s20 =	simm.s32 $0x10400;
	s21 =	simm.s32 $0x11400  }
0x57: {  	[hbm4b:s3+s19] =	stream.indirect.scatter [tilespmem:s21], [sflag:$0x1], $0x1, s20, s19, $0xb8;
	[tilespmem:$0x12000] =	vst v63  }
0x58: {  	s20 =	simm.s32 $0x10480;
	s21 =	simm.s32 $0x11480  }
0x59: {  	[hbm4b:s3+s19] =	stream.indirect.scatter [tilespmem:s21], [sflag:$0x1], $0x1, s20, s19, $0xb8;
	[tilespmem:$0x12000] =	vst v63  }
0x5a: {  	s20 =	simm.s32 $0x10500;
	s21 =	simm.s32 $0x11500  }
0x5b: {  	[hbm4b:s3+s19] =	stream.indirect.scatter [tilespmem:s21], [sflag:$0x1], $0x1, s20, s19, $0xb8;
	[tilespmem:$0x12000] =	vst v63  }
0x5c: {  	s20 =	simm.s32 $0x10580;
	s21 =	simm.s32 $0x11580  }
0x5d: {  	[hbm4b:s3+s19] =	stream.indirect.scatter [tilespmem:s21], [sflag:$0x1], $0x1, s20, s19, $0xb8;
	[tilespmem:$0x12000] =	vst v63  }
0x5e: {  	s20 =	simm.s32 $0x10600;
	s21 =	simm.s32 $0x11600  }
0x5f: {  	[hbm4b:s3+s19] =	stream.indirect.scatter [tilespmem:s21], [sflag:$0x1], $0x1, s20, s19, $0xb8;
	[tilespmem:$0x12000] =	vst v63  }
0x60: {  	s20 =	simm.s32 $0x10680;
	s21 =	simm.s32 $0x11680  }
0x61: {  	[hbm4b:s3+s19] =	stream.indirect.scatter [tilespmem:s21], [sflag:$0x1], $0x1, s20, s19, $0xb8;
	[tilespmem:$0x12000] =	vst v63  }
0x62: {  	s20 =	simm.s32 $0x10700;
	s21 =	simm.s32 $0x11700  }
0x63: {  	[hbm4b:s3+s19] =	stream.indirect.scatter [tilespmem:s21], [sflag:$0x1], $0x1, s20, s19, $0xb8;
	[tilespmem:$0x12000] =	vst v63  }
0x64: {  	s20 =	simm.s32 $0x10780;
	s21 =	simm.s32 $0x11780  }
0x65: {  	[hbm4b:s3+s19] =	stream.indirect.scatter [tilespmem:s21], [sflag:$0x1], $0x1, s20, s19, $0xb8;
	[tilespmem:$0x12000] =	vst v63  }
0x66: {  	s20 =	simm.s32 $0x10800;
	s21 =	simm.s32 $0x11800  }
0x67: {  	[hbm4b:s3+s19] =	stream.indirect.scatter [tilespmem:s21], [sflag:$0x1], $0x1, s20, s19, $0xb8;
	[tilespmem:$0x12000] =	vst v63  }
0x68: {  	s20 =	simm.s32 $0x10880;
	s21 =	simm.s32 $0x11880  }
0x69: {  	[hbm4b:s3+s19] =	stream.indirect.scatter [tilespmem:s21], [sflag:$0x1], $0x1, s20, s19, $0xb8;
	[tilespmem:$0x12000] =	vst v63  }
0x6a: {  	s20 =	simm.s32 $0x10900;
	s21 =	simm.s32 $0x11900  }
0x6b: {  	[hbm4b:s3+s19] =	stream.indirect.scatter [tilespmem:s21], [sflag:$0x1], $0x1, s20, s19, $0xb8;
	[tilespmem:$0x12000] =	vst v63  }
0x6c: {  	s20 =	simm.s32 $0x10980;
	s21 =	simm.s32 $0x11980  }
0x6d: {  	[hbm4b:s3+s19] =	stream.indirect.scatter [tilespmem:s21], [sflag:$0x1], $0x1, s20, s19, $0xb8;
	[tilespmem:$0x12000] =	vst v63  }
0x6e: {  	s20 =	simm.s32 $0x10A00;
	s21 =	simm.s32 $0x11A00  }
0x6f: {  	[hbm4b:s3+s19] =	stream.indirect.scatter [tilespmem:s21], [sflag:$0x1], $0x1, s20, s19, $0xb8;
	[tilespmem:$0x12000] =	vst v63  }
0x70: {  	s21 =	simm.s32 $0x10A80  }
0x71: {  	[hbm4b:s3+s19] =	stream.indirect.scatter [tilespmem:s22], [sflag:$0x1], $0x1, s21, s19, $0xb8;
	[tilespmem:$0x12000] =	vst v63  }
0x72: {  	_ = 	snop  }
0x73: {  	[hbm4b:s3+s19] =	stream.indirect.scatter [tilespmem:s24], [sflag:$0x1], $0x1, s23, s19, $0xb8;
	[tilespmem:$0x12000] =	vst v63  }
0x74: {  	_ = 	snop  }
0x75: {  	[hbm4b:s3+s19] =	stream.indirect.scatter [tilespmem:s26], [sflag:$0x1], $0x1, s25, s19, $0xb8;
	[tilespmem:$0x12000] =	vst v63  }
0x76: {  	_ = 	snop  }
0x77: {  	[hbm4b:s3+s19] =	stream.indirect.scatter [tilespmem:s29], [sflag:$0x1], $0x1, s28, s19, $0xb8;
	[tilespmem:$0x12000] =	vst v63  }
0x78: {  	_ = 	snop  }
0x79: {  	[hbm4b:s3+s19] =	stream.indirect.scatter [tilespmem:s31], [sflag:$0x1], $0x1, s30, s19, $0xb8;
	[tilespmem:$0x12000] =	vst v63  }
0x7a: {  	_ =	swait.ge [sflag:s0], $0x80  }
0x7b: {  	[sflag:s0] =	ssyncset.done $0x0  }
0x7c: {  	[sflag:s0] =	ssyncadd.s32 $0xFFFFFF80  }
0x7d: {  	_ =	swait.ge [sflag:s0], $0x80  }
0x7e: {  	[sflag:s0] =	ssyncset.done $0x0  }
0x7f: {  	[sflag:s0] =	ssyncadd.s32 $0xFFFFFF80  }
0x80: {  	_ =	swait.ge [sflag:s0], $0x80  }
0x81: {  	[sflag:s0] =	ssyncset.done $0x0  }
0x82: {  	[sflag:s0] =	ssyncadd.s32 $0xFFFFFF80  }
0x83: {  	_ =	swait.ge [sflag:s0], $0x80  }
0x84: {  	[sflag:s0] =	ssyncset.done $0x0  }
0x85: {  	[sflag:s0] =	ssyncadd.s32 $0xFFFFFF80  }
0x86: {  	_ =	swait.ge [sflag:s0], $0x80  }
0x87: {  	[sflag:s0] =	ssyncset.done $0x0  }
0x88: {  	[sflag:s0] =	ssyncadd.s32 $0xFFFFFF80  }
0x89: {  	_ =	swait.ge [sflag:s0], $0x80  }
0x8a: {  	[sflag:s0] =	ssyncset.done $0x0  }
0x8b: {  	[sflag:s0] =	ssyncadd.s32 $0xFFFFFF80  }
0x8c: {  	_ =	swait.ge [sflag:s0], $0x80  }
0x8d: {  	[sflag:s0] =	ssyncset.done $0x0  }
0x8e: {  	[sflag:s0] =	ssyncadd.s32 $0xFFFFFF80  }
0x8f: {  	_ =	swait.ge [sflag:s0], $0x80  }
0x90: {  	[sflag:s0] =	ssyncset.done $0x0  }
0x91: {  	[sflag:s0] =	ssyncadd.s32 $0xFFFFFF80  }
0x92: {  	_ =	swait.ge [sflag:s0], $0x80  }
0x93: {  	[sflag:s0] =	ssyncset.done $0x0  }
0x94: {  	[sflag:s0] =	ssyncadd.s32 $0xFFFFFF80  }
0x95: {  	_ =	swait.ge [sflag:s0], $0x80  }
0x96: {  	[sflag:s0] =	ssyncset.done $0x0  }
0x97: {  	[sflag:s0] =	ssyncadd.s32 $0xFFFFFF80  }
0x98: {  	_ =	swait.ge [sflag:s0], $0x80  }
0x99: {  	[sflag:s0] =	ssyncset.done $0x0  }
0x9a: {  	[sflag:s0] =	ssyncadd.s32 $0xFFFFFF80  }
0x9b: {  	_ =	swait.ge [sflag:s0], $0x80  }
0x9c: {  	[sflag:s0] =	ssyncset.done $0x0  }
0x9d: {  	[sflag:s0] =	ssyncadd.s32 $0xFFFFFF80  }
0x9e: {  	_ =	swait.ge [sflag:s0], $0x80  }
0x9f: {  	[sflag:s0] =	ssyncset.done $0x0  }
0xa0: {  	[sflag:s0] =	ssyncadd.s32 $0xFFFFFF80  }
0xa1: {  	_ =	swait.ge [sflag:s0], $0x80  }
0xa2: {  	[sflag:s0] =	ssyncset.done $0x0  }
0xa3: {  	[sflag:s0] =	ssyncadd.s32 $0xFFFFFF80  }
0xa4: {  	_ =	swait.ge [sflag:s0], $0x80  }
0xa5: {  	[sflag:s0] =	ssyncset.done $0x0  }
0xa6: {  	[sflag:s0] =	ssyncadd.s32 $0xFFFFFF80  }
0xa7: {  	_ =	swait.ge [sflag:s0], $0x80  }
0xa8: {  	[sflag:s0] =	ssyncset.done $0x0  }
0xa9: {  	[sflag:s0] =	ssyncadd.s32 $0xFFFFFF80  }
0xaa: {  	_ =	swait.ge [sflag:s0], $0x80  }
0xab: {  	[sflag:s0] =	ssyncset.done $0x0  }
0xac: {  	[sflag:s0] =	ssyncadd.s32 $0xFFFFFF80  }
0xad: {  	_ =	swait.ge [sflag:s0], $0x80  }
0xae: {  	[sflag:s0] =	ssyncset.done $0x0  }
0xaf: {  	[sflag:s0] =	ssyncadd.s32 $0xFFFFFF80  }
0xb0: {  	_ =	swait.ge [sflag:s0], $0x80  }
0xb1: {  	[sflag:s0] =	ssyncset.done $0x0  }
0xb2: {  	[sflag:s0] =	ssyncadd.s32 $0xFFFFFF80  }
0xb3: {  	_ =	swait.ge [sflag:s0], $0x80  }
0xb4: {  	[sflag:s0] =	ssyncset.done $0x0  }
0xb5: {  	[sflag:s0] =	ssyncadd.s32 $0xFFFFFF80  }
0xb6: {  	_ =	swait.ge [sflag:s0], $0x80  }
0xb7: {  	[sflag:s0] =	ssyncset.done $0x0  }
0xb8: {  	[sflag:s0] =	ssyncadd.s32 $0xFFFFFF80  }
0xb9: {  	_ =	swait.ge [sflag:s0], $0x80  }
0xba: {  	[sflag:s0] =	ssyncset.done $0x0  }
0xbb: {  	[sflag:s0] =	ssyncadd.s32 $0xFFFFFF80  }
0xbc: {  	_ =	swait.ge [sflag:s0], $0x80  }
0xbd: {  	[sflag:s0] =	ssyncset.done $0x0  }
0xbe: {  	[sflag:s0] =	ssyncadd.s32 $0xFFFFFF80  }
0xbf: {  	_ =	swait.ge [sflag:s0], $0x80  }
0xc0: {  	[sflag:s0] =	ssyncset.done $0x0  }
0xc1: {  	s2 =	sadd.s32 $0x1, s2;
	[sflag:s0] =	ssyncadd.s32 $0xFFFFFF80  }
0xc2: {  	p0 =	sne.s32 s2, s14;
	_ =	swait.ge [sflag:s0], $0x80  }
.Ltmp1:
0xc3: {  	[sflag:s0] =	ssyncset.done $0x0;
	(pc) =	sbr.rel @p0 .LBB2_1-.Ltmp1, $4  }
0xc4: {  	[sflag:s0] =	ssyncadd.s32 $0xFFFFFF80  }
0xc5: {  	_ =	swait.ge [sflag:s0], $0x80  }
0xc6: {  	[sflag:s0] =	ssyncset.done $0x0  }
0xc7: {  	[sflag:s0] =	ssyncadd.s32 $0xFFFFFF80  }
0xc8: {  	_ =	sfence.sel $0x180000  }
0xc9: {  	[bflag:$0x0] =	sbarrier.arrive $0xFFFF  }
0xca: {  	_ =	strace $0x90000047  }
0xcb: {  	s0 =	stileid.u32;
	[bflag:$0x2] =	sbarrier.arrive $0xFFFF  }
0xcc: {  	p0 =	sne.s32 s0, $0x0;
	s0 =	rddreg [dreg:$0x2]  }
0xcd: {  	s0 =	sadd.s32 @!p0 $0x100000, s0  }
0xce: {  	[sflag:s0] =	ssyncadd.tile.s32 @!p0 $0x1;
	_ =	shalt  }
.Lfunc_end2:
_tile_overlayer_lowered:
.L_overlay_start_2:
0xcf: {  	(tag) =	ssettag $0x2  }
0xd0: {  	s0 =	rddreg [dreg:$0x0];
	s2 =	stileid.u32  }
0xd1: {  	s1 =	rddreg [dreg:$0x1];
	p0 =	sne.s32 s2, $0x0  }
0xd2: {  	s3 =	rddreg [dreg:$0x2];
	[bflag:$0x3] =	sbarrier.arrive $0xFFFF;
	s2 =	simm.s32 @!p0 $0x1C03  }
0xd3: {  	[timem:s3], [sflag:s2] =	dma.local @!p0 [hbm:s0], s1  }
0xd4: {  	s0 =	simm.s32 @!p0 $0x3  }
0xd5: {  	_ =	swait.ge @!p0 [sflag:s0], s1  }
0xd6: {  	s1 =	ssub.s32 @!p0 $0x0, s1;
	[sflag:s0] =	ssyncset.done @!p0 $0x0  }
0xd7: {  	[sflag:s0] =	ssyncadd.s32 @!p0 s1  }
0xd8: {  	[bflag:$0x3] =	sbarrier.arrive $0xFFFF  }
0xd9: {  	_ =	shalt  }

</sc_bundles>
